<compile_context>
chip_gen: v7x
topology: tpu7x:2x2x1
jax: 0.10.2.dev20260603
libtpu: 0.0.44.dev20260713+nightly
codegen_flags: <defaults>
</compile_context>

<pallas_src>
import functools

import jax
import jax.numpy as jnp
from jax import lax
from jax.experimental import pallas as pl
from jax.experimental.pallas import tpu as pltpu
from jax.experimental.pallas import tpu_sc as plsc

_UNK = 22
_THRESH = 838861
_K0 = 0
_K1 = 42
_KS2 = _K0 ^ _K1 ^ 0x1BD11BDA
_ROT = ((13, 15, 26, 6), (17, 29, 16, 24))

_NC = 2
_NS = 16
_NW = _NC * _NS
_LANES = 16
_UNROLL = 4


def _threefry_bits(idx):
    x0 = jnp.zeros(idx.shape, jnp.int32)
    x1 = idx + jnp.int32(_K1)
    ks = (_K0, _K1, _KS2)
    for i in range(5):
        for d in _ROT[i % 2]:
            x0 = x0 + x1
            x1 = (x1 << jnp.int32(d)) | lax.shift_right_logical(
                x1, jnp.int32(32 - d)
            )
            x1 = x1 ^ x0
        x0 = x0 + jnp.int32(ks[(i + 1) % 3])
        x1 = x1 + jnp.int32(ks[(i + 2) % 3] + i + 1)
    return x0 ^ x1


def _make_sc_kernel(rows, cols):
    chunk = rows * cols // _NW
    per_row = cols // chunk
    vecs = chunk // _LANES
    mesh = plsc.VectorSubcoreMesh(core_axis_name="c", subcore_axis_name="s")

    @functools.partial(
        pl.kernel,
        mesh=mesh,
        out_type=jax.ShapeDtypeStruct((rows, cols), jnp.int32),
        scratch_types=[pltpu.VMEM((chunk,), jnp.int32)],
    )
    def sc_kernel(x_hbm, o_hbm, buf):
        wid = lax.axis_index("s") * _NC + lax.axis_index("c")
        row = wid // per_row
        col0 = (wid % per_row) * chunk
        pltpu.sync_copy(x_hbm.at[row, pl.ds(col0, chunk)], buf)
        base = row * jnp.int32(cols) + col0
        lanes = lax.iota(jnp.int32, _LANES)
        span = _LANES * _UNROLL

        def body(j, carry):
            for u in range(_UNROLL):
                off = j * span + u * _LANES
                bits = _threefry_bits(base + off + lanes)
                m = lax.shift_right_logical(bits, jnp.int32(9)) < jnp.int32(
                    _THRESH
                )
                buf[pl.ds(off, _LANES)] = jnp.where(
                    m, jnp.int32(_UNK), buf[pl.ds(off, _LANES)]
                )
            return carry

        lax.fori_loop(0, vecs // _UNROLL, body, jnp.int32(0))
        pltpu.sync_copy(buf, o_hbm.at[row, pl.ds(col0, chunk)])

    return sc_kernel


@jax.jit
def kernel(x):
    rows, cols = x.shape
    return _make_sc_kernel(rows, cols)(x)

# --- scband reference (transcript-rebuilt; emitter-appended) ---
"""Pipeline reference for scband-maskedwords-33483565039991 (READ-ONLY COPY).

The authoritative reference and input builder live on the scoring server;
editing this copy changes nothing except your own understanding.
"""

import jax, jax.numpy as jnp
import numpy as np

UNK = 22
P_WORD_DROPOUT = 0.1

def setup_inputs(seed: int = 0) -> dict:
    key = jax.random.key(seed)
    x = jax.random.randint(key, (4, 8192), 0, 32000, dtype=jnp.int64 if jax.config.jax_enable_x64 else jnp.int32)
    x = x.astype(jnp.int32)
    return {"x": x}

def reference(x) -> jnp.ndarray:
    # Faithful translation of Maskedwords.forward: clone input, sample a Bernoulli(p)
    # mask over every element, and overwrite masked positions with the UNK token id.
    # (torch used np.random.binomial; here we use a fixed jax PRNG key so the
    # computation is reproducible.)
    mkey = jax.random.key(42)
    mask = jax.random.bernoulli(mkey, p=P_WORD_DROPOUT, shape=x.shape)
    data = jnp.where(mask, jnp.asarray(UNK, dtype=x.dtype), x)
    return data

if __name__ == "__main__":
    import jax
    _d = setup_inputs()
    print(jax.jit(kernel)(*tuple(_d.values())))

</pallas_src>

<mosaic_0001>
#map = affine_map<(d0, d1) -> (0, 0)>
module attributes {stable_mosaic.version = 14 : i64} {
  func.func @sc_kernel(%arg0: i32, %arg1: i32, %arg2: memref<4x8192xi32, #tpu.memory_space<hbm>>, %arg3: memref<4x8192xi32, #tpu.memory_space<hbm>>, %arg4: memref<1024xi32, #tpu.memory_space<vmem>>) attributes {dimension_semantics = [#tpu.dimension_semantics<core_parallel>, #tpu.dimension_semantics<subcore_parallel>], iteration_bounds = array<i64: 2, 16>, scalar_prefetch = 0 : i64, scratch_operands = 1 : i64, tpu.core_type = #tpu.core_type<sc_vector_subcore>, window_params = [{transform_indices = #map}, {transform_indices = #map}]} {
    %mul3A = arith.constant 2 : i32
    %mul3A_0 = arith.muli %arg1, %mul3A : i32
    %add3A = arith.addi %mul3A_0, %arg0 : i32
    %jit3A = arith.constant 8 : i32
    %div3A = arith.divsi %add3A, %jit3A : i32
    %sign3A = arith.constant 0 : i32
    %sign3A_1 = arith.cmpi sgt, %add3A, %sign3A : i32
    %sign3A_2 = arith.extui %sign3A_1 : i1 to i32
    %sign3A_3 = arith.constant 0 : i32
    %sign3A_4 = arith.cmpi slt, %add3A, %sign3A_3 : i32
    %sign3A_5 = arith.extui %sign3A_4 : i1 to i32
    %sign3A_6 = arith.subi %sign3A_2, %sign3A_5 : i32
    %sign3A_7 = arith.constant 0 : i32
    %sign3A_8 = arith.cmpi sgt, %jit3A, %sign3A_7 : i32
    %sign3A_9 = arith.extui %sign3A_8 : i1 to i32
    %sign3A_10 = arith.constant 0 : i32
    %sign3A_11 = arith.cmpi slt, %jit3A, %sign3A_10 : i32
    %sign3A_12 = arith.extui %sign3A_11 : i1 to i32
    %sign3A_13 = arith.subi %sign3A_9, %sign3A_12 : i32
    %ne3A = arith.cmpi ne, %sign3A_6, %sign3A_13 : i32
    %rem3A = arith.remsi %add3A, %jit3A : i32
    %ne3A_14 = arith.constant 0 : i32
    %ne3A_15 = arith.cmpi ne, %rem3A, %ne3A_14 : i32
    %and3A = arith.andi %ne3A, %ne3A_15 : i1
    %sub3A = arith.constant 1 : i32
    %sub3A_16 = arith.subi %div3A, %sub3A : i32
    %select_n3A = arith.select %and3A, %sub3A_16, %div3A : i32
    %jit3A_17 = arith.constant 8 : i32
    %eq3A = arith.constant 0 : i32
    %eq3A_18 = arith.cmpi eq, %jit3A_17, %eq3A : i32
    %jit3A_19 = arith.constant 1 : i32
    %select_n3A_20 = arith.select %eq3A_18, %jit3A_19, %jit3A_17 : i32
    %rem3A_21 = arith.remsi %add3A, %select_n3A_20 : i32
    %ne3A_22 = arith.constant 0 : i32
    %ne3A_23 = arith.cmpi ne, %rem3A_21, %ne3A_22 : i32
    %lt3A = arith.constant 0 : i32
    %lt3A_24 = arith.cmpi slt, %rem3A_21, %lt3A : i32
    %lt3A_25 = arith.constant 0 : i32
    %lt3A_26 = arith.cmpi slt, %select_n3A_20, %lt3A_25 : i32
    %ne3A_27 = arith.xori %lt3A_24, %lt3A_26 : i1
    %and3A_28 = arith.andi %ne3A_27, %ne3A_23 : i1
    %add3A_29 = arith.addi %rem3A_21, %select_n3A_20 : i32
    %select_n3A_30 = arith.select %and3A_28, %add3A_29, %rem3A_21 : i32
    %mul3A_31 = arith.constant 1024 : i32
    %mul3A_32 = arith.muli %select_n3A_30, %mul3A_31 : i32
    "tpu.region"() ({
      %run_scoped3A = tpu.sem_alloc : memref<!tpu.dma_semaphore, #tpu.memory_space<semaphore_mem>>
      %dma_start3A = tpu.memref_slice %arg2[%select_n3A, %mul3A_32] : memref<4x8192xi32, #tpu.memory_space<hbm>> -> memref<1x1024xi32, #tpu.memory_space<hbm>>
      %dma_start3A_41 = tpu.memref_squeeze %dma_start3A : memref<1x1024xi32, #tpu.memory_space<hbm>> -> memref<1024xi32, #tpu.memory_space<hbm>>
      %dma_start3A_42 = tpu.memref_slice %arg2[%select_n3A, %mul3A_32] : memref<4x8192xi32, #tpu.memory_space<hbm>> -> memref<1x1024xi32, #tpu.memory_space<hbm>>
      %dma_start3A_43 = tpu.memref_squeeze %dma_start3A_42 : memref<1x1024xi32, #tpu.memory_space<hbm>> -> memref<1024xi32, #tpu.memory_space<hbm>>
      tpu.enqueue_dma source(%dma_start3A_43 : memref<1024xi32, #tpu.memory_space<hbm>>) target(%arg4 : memref<1024xi32, #tpu.memory_space<vmem>>) target_semaphore(%run_scoped3A : memref<!tpu.dma_semaphore, #tpu.memory_space<semaphore_mem>>)
      %dma_wait3A = tpu.memref_slice %arg2[%select_n3A, %mul3A_32] : memref<4x8192xi32, #tpu.memory_space<hbm>> -> memref<1x1024xi32, #tpu.memory_space<hbm>>
      %dma_wait3A_44 = tpu.memref_squeeze %dma_wait3A : memref<1x1024xi32, #tpu.memory_space<hbm>> -> memref<1024xi32, #tpu.memory_space<hbm>>
      %dma_wait3A_45 = tpu.memref_slice %arg2[%select_n3A, %mul3A_32] : memref<4x8192xi32, #tpu.memory_space<hbm>> -> memref<1x1024xi32, #tpu.memory_space<hbm>>
      %dma_wait3A_46 = tpu.memref_squeeze %dma_wait3A_45 : memref<1x1024xi32, #tpu.memory_space<hbm>> -> memref<1024xi32, #tpu.memory_space<hbm>>
      tpu.wait_dma2 semaphore(%run_scoped3A : memref<!tpu.dma_semaphore, #tpu.memory_space<semaphore_mem>>) src(%dma_wait3A_46 : memref<1024xi32, #tpu.memory_space<hbm>>) dst(%arg4 : memref<1024xi32, #tpu.memory_space<vmem>>)
      tpu.yield
    }) : () -> ()
    %mul3A_33 = arith.constant 8192 : i32
    %mul3A_34 = arith.muli %select_n3A, %mul3A_33 : i32
    %add3A_35 = arith.addi %mul3A_34, %mul3A_32 : i32
    %iota3A = tpu.iota {dimensions = array<i32: 0>} : vector<16xi32>
    %scan3A = arith.constant 0 : i32
    %scan3A_36 = arith.constant 0 : i32
    %scan3A_37 = arith.constant 16 : i32
    %scan3A_38 = arith.addi %scan3A_36, %scan3A_37 : i32
    %scan3A_39 = arith.constant 1 : i32
    scf.for %scan3A_41 = %scan3A_36 to %scan3A_38 step %scan3A_39  : i32 {
      %mul3A_42 = arith.constant 64 : i32
      %mul3A_43 = arith.muli %scan3A_41, %mul3A_42 : i32
      %add3A_44 = arith.constant 0 : i32
      %add3A_45 = arith.addi %mul3A_43, %add3A_44 : i32
      %add3A_46 = arith.addi %add3A_35, %add3A_45 : i32
      %add3A_47 = vector.broadcast %add3A_46 : i32 to vector<16xi32>
      %add3A_48 = arith.addi %add3A_47, %iota3A : vector<16xi32>
      %broadcast_in_dim3A = arith.constant 0 : i32
      %broadcast_in_dim3A_49 = vector.broadcast %broadcast_in_dim3A : i32 to vector<16xi32>
      %add3A_50 = arith.constant 42 : i32
      %add3A_51 = vector.broadcast %add3A_50 : i32 to vector<16xi32>
      %add3A_52 = arith.addi %add3A_48, %add3A_51 : vector<16xi32>
      %add3A_53 = arith.addi %broadcast_in_dim3A_49, %add3A_52 : vector<16xi32>
      %shift_left3A = arith.constant 13 : i32
      %shift_left3A_54 = vector.broadcast %shift_left3A : i32 to vector<16xi32>
      %shift_left3A_55 = arith.shli %add3A_52, %shift_left3A_54 : vector<16xi32>
      %shift_right_logical3A = arith.constant 19 : i32
      %shift_right_logical3A_56 = vector.broadcast %shift_right_logical3A : i32 to vector<16xi32>
      %shift_right_logical3A_57 = arith.shrui %add3A_52, %shift_right_logical3A_56 : vector<16xi32>
      %or3A = arith.ori %shift_left3A_55, %shift_right_logical3A_57 : vector<16xi32>
      %xor3A = arith.xori %or3A, %add3A_53 : vector<16xi32>
      %add3A_58 = arith.addi %add3A_53, %xor3A : vector<16xi32>
      %shift_left3A_59 = arith.constant 15 : i32
      %shift_left3A_60 = vector.broadcast %shift_left3A_59 : i32 to vector<16xi32>
      %shift_left3A_61 = arith.shli %xor3A, %shift_left3A_60 : vector<16xi32>
      %shift_right_logical3A_62 = arith.constant 17 : i32
      %shift_right_logical3A_63 = vector.broadcast %shift_right_logical3A_62 : i32 to vector<16xi32>
      %shift_right_logical3A_64 = arith.shrui %xor3A, %shift_right_logical3A_63 : vector<16xi32>
      %or3A_65 = arith.ori %shift_left3A_61, %shift_right_logical3A_64 : vector<16xi32>
      %xor3A_66 = arith.xori %or3A_65, %add3A_58 : vector<16xi32>
      %add3A_67 = arith.addi %add3A_58, %xor3A_66 : vector<16xi32>
      %shift_left3A_68 = arith.constant 26 : i32
      %shift_left3A_69 = vector.broadcast %shift_left3A_68 : i32 to vector<16xi32>
      %shift_left3A_70 = arith.shli %xor3A_66, %shift_left3A_69 : vector<16xi32>
      %shift_right_logical3A_71 = arith.constant 6 : i32
      %shift_right_logical3A_72 = vector.broadcast %shift_right_logical3A_71 : i32 to vector<16xi32>
      %shift_right_logical3A_73 = arith.shrui %xor3A_66, %shift_right_logical3A_72 : vector<16xi32>
      %or3A_74 = arith.ori %shift_left3A_70, %shift_right_logical3A_73 : vector<16xi32>
      %xor3A_75 = arith.xori %or3A_74, %add3A_67 : vector<16xi32>
      %add3A_76 = arith.addi %add3A_67, %xor3A_75 : vector<16xi32>
      %shift_left3A_77 = arith.constant 6 : i32
      %shift_left3A_78 = vector.broadcast %shift_left3A_77 : i32 to vector<16xi32>
      %shift_left3A_79 = arith.shli %xor3A_75, %shift_left3A_78 : vector<16xi32>
      %shift_right_logical3A_80 = arith.constant 26 : i32
      %shift_right_logical3A_81 = vector.broadcast %shift_right_logical3A_80 : i32 to vector<16xi32>
      %shift_right_logical3A_82 = arith.shrui %xor3A_75, %shift_right_logical3A_81 : vector<16xi32>
      %or3A_83 = arith.ori %shift_left3A_79, %shift_right_logical3A_82 : vector<16xi32>
      %xor3A_84 = arith.xori %or3A_83, %add3A_76 : vector<16xi32>
      %add3A_85 = arith.constant 42 : i32
      %add3A_86 = vector.broadcast %add3A_85 : i32 to vector<16xi32>
      %add3A_87 = arith.addi %add3A_76, %add3A_86 : vector<16xi32>
      %add3A_88 = arith.constant 466689009 : i32
      %add3A_89 = vector.broadcast %add3A_88 : i32 to vector<16xi32>
      %add3A_90 = arith.addi %xor3A_84, %add3A_89 : vector<16xi32>
      %add3A_91 = arith.addi %add3A_87, %add3A_90 : vector<16xi32>
      %shift_left3A_92 = arith.constant 17 : i32
      %shift_left3A_93 = vector.broadcast %shift_left3A_92 : i32 to vector<16xi32>
      %shift_left3A_94 = arith.shli %add3A_90, %shift_left3A_93 : vector<16xi32>
      %shift_right_logical3A_95 = arith.constant 15 : i32
      %shift_right_logical3A_96 = vector.broadcast %shift_right_logical3A_95 : i32 to vector<16xi32>
      %shift_right_logical3A_97 = arith.shrui %add3A_90, %shift_right_logical3A_96 : vector<16xi32>
      %or3A_98 = arith.ori %shift_left3A_94, %shift_right_logical3A_97 : vector<16xi32>
      %xor3A_99 = arith.xori %or3A_98, %add3A_91 : vector<16xi32>
      %add3A_100 = arith.addi %add3A_91, %xor3A_99 : vector<16xi32>
      %shift_left3A_101 = arith.constant 29 : i32
      %shift_left3A_102 = vector.broadcast %shift_left3A_101 : i32 to vector<16xi32>
      %shift_left3A_103 = arith.shli %xor3A_99, %shift_left3A_102 : vector<16xi32>
      %shift_right_logical3A_104 = arith.constant 3 : i32
      %shift_right_logical3A_105 = vector.broadcast %shift_right_logical3A_104 : i32 to vector<16xi32>
      %shift_right_logical3A_106 = arith.shrui %xor3A_99, %shift_right_logical3A_105 : vector<16xi32>
      %or3A_107 = arith.ori %shift_left3A_103, %shift_right_logical3A_106 : vector<16xi32>
      %xor3A_108 = arith.xori %or3A_107, %add3A_100 : vector<16xi32>
      %add3A_109 = arith.addi %add3A_100, %xor3A_108 : vector<16xi32>
      %shift_left3A_110 = arith.constant 16 : i32
      %shift_left3A_111 = vector.broadcast %shift_left3A_110 : i32 to vector<16xi32>
      %shift_left3A_112 = arith.shli %xor3A_108, %shift_left3A_111 : vector<16xi32>
      %shift_right_logical3A_113 = arith.constant 16 : i32
      %shift_right_logical3A_114 = vector.broadcast %shift_right_logical3A_113 : i32 to vector<16xi32>
      %shift_right_logical3A_115 = arith.shrui %xor3A_108, %shift_right_logical3A_114 : vector<16xi32>
      %or3A_116 = arith.ori %shift_left3A_112, %shift_right_logical3A_115 : vector<16xi32>
      %xor3A_117 = arith.xori %or3A_116, %add3A_109 : vector<16xi32>
      %add3A_118 = arith.addi %add3A_109, %xor3A_117 : vector<16xi32>
      %shift_left3A_119 = arith.constant 24 : i32
      %shift_left3A_120 = vector.broadcast %shift_left3A_119 : i32 to vector<16xi32>
      %shift_left3A_121 = arith.shli %xor3A_117, %shift_left3A_120 : vector<16xi32>
      %shift_right_logical3A_122 = arith.constant 8 : i32
      %shift_right_logical3A_123 = vector.broadcast %shift_right_logical3A_122 : i32 to vector<16xi32>
      %shift_right_logical3A_124 = arith.shrui %xor3A_117, %shift_right_logical3A_123 : vector<16xi32>
      %or3A_125 = arith.ori %shift_left3A_121, %shift_right_logical3A_124 : vector<16xi32>
      %xor3A_126 = arith.xori %or3A_125, %add3A_118 : vector<16xi32>
      %add3A_127 = arith.constant 466689008 : i32
      %add3A_128 = vector.broadcast %add3A_127 : i32 to vector<16xi32>
      %add3A_129 = arith.addi %add3A_118, %add3A_128 : vector<16xi32>
      %add3A_130 = arith.constant 2 : i32
      %add3A_131 = vector.broadcast %add3A_130 : i32 to vector<16xi32>
      %add3A_132 = arith.addi %xor3A_126, %add3A_131 : vector<16xi32>
      %add3A_133 = arith.addi %add3A_129, %add3A_132 : vector<16xi32>
      %shift_left3A_134 = arith.constant 13 : i32
      %shift_left3A_135 = vector.broadcast %shift_left3A_134 : i32 to vector<16xi32>
      %shift_left3A_136 = arith.shli %add3A_132, %shift_left3A_135 : vector<16xi32>
      %shift_right_logical3A_137 = arith.constant 19 : i32
      %shift_right_logical3A_138 = vector.broadcast %shift_right_logical3A_137 : i32 to vector<16xi32>
      %shift_right_logical3A_139 = arith.shrui %add3A_132, %shift_right_logical3A_138 : vector<16xi32>
      %or3A_140 = arith.ori %shift_left3A_136, %shift_right_logical3A_139 : vector<16xi32>
      %xor3A_141 = arith.xori %or3A_140, %add3A_133 : vector<16xi32>
      %add3A_142 = arith.addi %add3A_133, %xor3A_141 : vector<16xi32>
      %shift_left3A_143 = arith.constant 15 : i32
      %shift_left3A_144 = vector.broadcast %shift_left3A_143 : i32 to vector<16xi32>
      %shift_left3A_145 = arith.shli %xor3A_141, %shift_left3A_144 : vector<16xi32>
      %shift_right_logical3A_146 = arith.constant 17 : i32
      %shift_right_logical3A_147 = vector.broadcast %shift_right_logical3A_146 : i32 to vector<16xi32>
      %shift_right_logical3A_148 = arith.shrui %xor3A_141, %shift_right_logical3A_147 : vector<16xi32>
      %or3A_149 = arith.ori %shift_left3A_145, %shift_right_logical3A_148 : vector<16xi32>
      %xor3A_150 = arith.xori %or3A_149, %add3A_142 : vector<16xi32>
      %add3A_151 = arith.addi %add3A_142, %xor3A_150 : vector<16xi32>
      %shift_left3A_152 = arith.constant 26 : i32
      %shift_left3A_153 = vector.broadcast %shift_left3A_152 : i32 to vector<16xi32>
      %shift_left3A_154 = arith.shli %xor3A_150, %shift_left3A_153 : vector<16xi32>
      %shift_right_logical3A_155 = arith.constant 6 : i32
      %shift_right_logical3A_156 = vector.broadcast %shift_right_logical3A_155 : i32 to vector<16xi32>
      %shift_right_logical3A_157 = arith.shrui %xor3A_150, %shift_right_logical3A_156 : vector<16xi32>
      %or3A_158 = arith.ori %shift_left3A_154, %shift_right_logical3A_157 : vector<16xi32>
      %xor3A_159 = arith.xori %or3A_158, %add3A_151 : vector<16xi32>
      %add3A_160 = arith.addi %add3A_151, %xor3A_159 : vector<16xi32>
      %shift_left3A_161 = arith.constant 6 : i32
      %shift_left3A_162 = vector.broadcast %shift_left3A_161 : i32 to vector<16xi32>
      %shift_left3A_163 = arith.shli %xor3A_159, %shift_left3A_162 : vector<16xi32>
      %shift_right_logical3A_164 = arith.constant 26 : i32
      %shift_right_logical3A_165 = vector.broadcast %shift_right_logical3A_164 : i32 to vector<16xi32>
      %shift_right_logical3A_166 = arith.shrui %xor3A_159, %shift_right_logical3A_165 : vector<16xi32>
      %or3A_167 = arith.ori %shift_left3A_163, %shift_right_logical3A_166 : vector<16xi32>
      %xor3A_168 = arith.xori %or3A_167, %add3A_160 : vector<16xi32>
      %add3A_169 = arith.constant 0 : i32
      %add3A_170 = vector.broadcast %add3A_169 : i32 to vector<16xi32>
      %add3A_171 = arith.addi %add3A_160, %add3A_170 : vector<16xi32>
      %add3A_172 = arith.constant 45 : i32
      %add3A_173 = vector.broadcast %add3A_172 : i32 to vector<16xi32>
      %add3A_174 = arith.addi %xor3A_168, %add3A_173 : vector<16xi32>
      %add3A_175 = arith.addi %add3A_171, %add3A_174 : vector<16xi32>
      %shift_left3A_176 = arith.constant 17 : i32
      %shift_left3A_177 = vector.broadcast %shift_left3A_176 : i32 to vector<16xi32>
      %shift_left3A_178 = arith.shli %add3A_174, %shift_left3A_177 : vector<16xi32>
      %shift_right_logical3A_179 = arith.constant 15 : i32
      %shift_right_logical3A_180 = vector.broadcast %shift_right_logical3A_179 : i32 to vector<16xi32>
      %shift_right_logical3A_181 = arith.shrui %add3A_174, %shift_right_logical3A_180 : vector<16xi32>
      %or3A_182 = arith.ori %shift_left3A_178, %shift_right_logical3A_181 : vector<16xi32>
      %xor3A_183 = arith.xori %or3A_182, %add3A_175 : vector<16xi32>
      %add3A_184 = arith.addi %add3A_175, %xor3A_183 : vector<16xi32>
      %shift_left3A_185 = arith.constant 29 : i32
      %shift_left3A_186 = vector.broadcast %shift_left3A_185 : i32 to vector<16xi32>
      %shift_left3A_187 = arith.shli %xor3A_183, %shift_left3A_186 : vector<16xi32>
      %shift_right_logical3A_188 = arith.constant 3 : i32
      %shift_right_logical3A_189 = vector.broadcast %shift_right_logical3A_188 : i32 to vector<16xi32>
      %shift_right_logical3A_190 = arith.shrui %xor3A_183, %shift_right_logical3A_189 : vector<16xi32>
      %or3A_191 = arith.ori %shift_left3A_187, %shift_right_logical3A_190 : vector<16xi32>
      %xor3A_192 = arith.xori %or3A_191, %add3A_184 : vector<16xi32>
      %add3A_193 = arith.addi %add3A_184, %xor3A_192 : vector<16xi32>
      %shift_left3A_194 = arith.constant 16 : i32
      %shift_left3A_195 = vector.broadcast %shift_left3A_194 : i32 to vector<16xi32>
      %shift_left3A_196 = arith.shli %xor3A_192, %shift_left3A_195 : vector<16xi32>
      %shift_right_logical3A_197 = arith.constant 16 : i32
      %shift_right_logical3A_198 = vector.broadcast %shift_right_logical3A_197 : i32 to vector<16xi32>
      %shift_right_logical3A_199 = arith.shrui %xor3A_192, %shift_right_logical3A_198 : vector<16xi32>
      %or3A_200 = arith.ori %shift_left3A_196, %shift_right_logical3A_199 : vector<16xi32>
      %xor3A_201 = arith.xori %or3A_200, %add3A_193 : vector<16xi32>
      %add3A_202 = arith.addi %add3A_193, %xor3A_201 : vector<16xi32>
      %shift_left3A_203 = arith.constant 24 : i32
      %shift_left3A_204 = vector.broadcast %shift_left3A_203 : i32 to vector<16xi32>
      %shift_left3A_205 = arith.shli %xor3A_201, %shift_left3A_204 : vector<16xi32>
      %shift_right_logical3A_206 = arith.constant 8 : i32
      %shift_right_logical3A_207 = vector.broadcast %shift_right_logical3A_206 : i32 to vector<16xi32>
      %shift_right_logical3A_208 = arith.shrui %xor3A_201, %shift_right_logical3A_207 : vector<16xi32>
      %or3A_209 = arith.ori %shift_left3A_205, %shift_right_logical3A_208 : vector<16xi32>
      %xor3A_210 = arith.xori %or3A_209, %add3A_202 : vector<16xi32>
      %add3A_211 = arith.constant 42 : i32
      %add3A_212 = vector.broadcast %add3A_211 : i32 to vector<16xi32>
      %add3A_213 = arith.addi %add3A_202, %add3A_212 : vector<16xi32>
      %add3A_214 = arith.constant 466689012 : i32
      %add3A_215 = vector.broadcast %add3A_214 : i32 to vector<16xi32>
      %add3A_216 = arith.addi %xor3A_210, %add3A_215 : vector<16xi32>
      %add3A_217 = arith.addi %add3A_213, %add3A_216 : vector<16xi32>
      %shift_left3A_218 = arith.constant 13 : i32
      %shift_left3A_219 = vector.broadcast %shift_left3A_218 : i32 to vector<16xi32>
      %shift_left3A_220 = arith.shli %add3A_216, %shift_left3A_219 : vector<16xi32>
      %shift_right_logical3A_221 = arith.constant 19 : i32
      %shift_right_logical3A_222 = vector.broadcast %shift_right_logical3A_221 : i32 to vector<16xi32>
      %shift_right_logical3A_223 = arith.shrui %add3A_216, %shift_right_logical3A_222 : vector<16xi32>
      %or3A_224 = arith.ori %shift_left3A_220, %shift_right_logical3A_223 : vector<16xi32>
      %xor3A_225 = arith.xori %or3A_224, %add3A_217 : vector<16xi32>
      %add3A_226 = arith.addi %add3A_217, %xor3A_225 : vector<16xi32>
      %shift_left3A_227 = arith.constant 15 : i32
      %shift_left3A_228 = vector.broadcast %shift_left3A_227 : i32 to vector<16xi32>
      %shift_left3A_229 = arith.shli %xor3A_225, %shift_left3A_228 : vector<16xi32>
      %shift_right_logical3A_230 = arith.constant 17 : i32
      %shift_right_logical3A_231 = vector.broadcast %shift_right_logical3A_230 : i32 to vector<16xi32>
      %shift_right_logical3A_232 = arith.shrui %xor3A_225, %shift_right_logical3A_231 : vector<16xi32>
      %or3A_233 = arith.ori %shift_left3A_229, %shift_right_logical3A_232 : vector<16xi32>
      %xor3A_234 = arith.xori %or3A_233, %add3A_226 : vector<16xi32>
      %add3A_235 = arith.addi %add3A_226, %xor3A_234 : vector<16xi32>
      %shift_left3A_236 = arith.constant 26 : i32
      %shift_left3A_237 = vector.broadcast %shift_left3A_236 : i32 to vector<16xi32>
      %shift_left3A_238 = arith.shli %xor3A_234, %shift_left3A_237 : vector<16xi32>
      %shift_right_logical3A_239 = arith.constant 6 : i32
      %shift_right_logical3A_240 = vector.broadcast %shift_right_logical3A_239 : i32 to vector<16xi32>
      %shift_right_logical3A_241 = arith.shrui %xor3A_234, %shift_right_logical3A_240 : vector<16xi32>
      %or3A_242 = arith.ori %shift_left3A_238, %shift_right_logical3A_241 : vector<16xi32>
      %xor3A_243 = arith.xori %or3A_242, %add3A_235 : vector<16xi32>
      %add3A_244 = arith.addi %add3A_235, %xor3A_243 : vector<16xi32>
      %shift_left3A_245 = arith.constant 6 : i32
      %shift_left3A_246 = vector.broadcast %shift_left3A_245 : i32 to vector<16xi32>
      %shift_left3A_247 = arith.shli %xor3A_243, %shift_left3A_246 : vector<16xi32>
      %shift_right_logical3A_248 = arith.constant 26 : i32
      %shift_right_logical3A_249 = vector.broadcast %shift_right_logical3A_248 : i32 to vector<16xi32>
      %shift_right_logical3A_250 = arith.shrui %xor3A_243, %shift_right_logical3A_249 : vector<16xi32>
      %or3A_251 = arith.ori %shift_left3A_247, %shift_right_logical3A_250 : vector<16xi32>
      %xor3A_252 = arith.xori %or3A_251, %add3A_244 : vector<16xi32>
      %add3A_253 = arith.constant 466689008 : i32
      %add3A_254 = vector.broadcast %add3A_253 : i32 to vector<16xi32>
      %add3A_255 = arith.addi %add3A_244, %add3A_254 : vector<16xi32>
      %add3A_256 = arith.constant 5 : i32
      %add3A_257 = vector.broadcast %add3A_256 : i32 to vector<16xi32>
      %add3A_258 = arith.addi %xor3A_252, %add3A_257 : vector<16xi32>
      %xor3A_259 = arith.xori %add3A_255, %add3A_258 : vector<16xi32>
      %shift_right_logical3A_260 = arith.constant 9 : i32
      %shift_right_logical3A_261 = vector.broadcast %shift_right_logical3A_260 : i32 to vector<16xi32>
      %shift_right_logical3A_262 = arith.shrui %xor3A_259, %shift_right_logical3A_261 : vector<16xi32>
      %lt3A_263 = arith.constant 838861 : i32
      %lt3A_264 = vector.broadcast %lt3A_263 : i32 to vector<16xi32>
      %lt3A_265 = arith.cmpi slt, %shift_right_logical3A_262, %lt3A_264 : vector<16xi32>
      %get3A = arith.index_cast %add3A_45 : i32 to index
      %get3A_266 = tpu.vector_load %arg4[%get3A] {strides = array<i32>} : memref<1024xi32, #tpu.memory_space<vmem>>, vector<16xi32>,
      %get3A_267 = vector.shape_cast %get3A_266 : vector<16xi32> to vector<16xi32>
      %jit3A_268 = arith.constant 22 : i32
      %broadcast_in_dim3A_269 = vector.broadcast %jit3A_268 : i32 to vector<16xi32>
      %select_n3A_270 = arith.select %lt3A_265, %broadcast_in_dim3A_269, %get3A_267 : vector<16xi1>, vector<16xi32>
      %swap3A = arith.index_cast %add3A_45 : i32 to index
      %swap3A_271 = tpu.vector_load %arg4[%swap3A] {strides = array<i32>} : memref<1024xi32, #tpu.memory_space<vmem>>, vector<16xi32>,
      %swap3A_272 = vector.shape_cast %swap3A_271 : vector<16xi32> to vector<16xi32>
      %swap3A_273 = vector.shape_cast %select_n3A_270 : vector<16xi32> to vector<16xi32>
      tpu.vector_store %arg4[%swap3A], %swap3A_273 {strides = array<i32>} : memref<1024xi32, #tpu.memory_space<vmem>>, vector<16xi32>,
      %mul3A_274 = arith.constant 64 : i32
      %mul3A_275 = arith.muli %scan3A_41, %mul3A_274 : i32
      %add3A_276 = arith.constant 16 : i32
      %add3A_277 = arith.addi %mul3A_275, %add3A_276 : i32
      %add3A_278 = arith.addi %add3A_35, %add3A_277 : i32
      %add3A_279 = vector.broadcast %add3A_278 : i32 to vector<16xi32>
      %add3A_280 = arith.addi %add3A_279, %iota3A : vector<16xi32>
      %broadcast_in_dim3A_281 = arith.constant 0 : i32
      %broadcast_in_dim3A_282 = vector.broadcast %broadcast_in_dim3A_281 : i32 to vector<16xi32>
      %add3A_283 = arith.constant 42 : i32
      %add3A_284 = vector.broadcast %add3A_283 : i32 to vector<16xi32>
      %add3A_285 = arith.addi %add3A_280, %add3A_284 : vector<16xi32>
      %add3A_286 = arith.addi %broadcast_in_dim3A_282, %add3A_285 : vector<16xi32>
      %shift_left3A_287 = arith.constant 13 : i32
      %shift_left3A_288 = vector.broadcast %shift_left3A_287 : i32 to vector<16xi32>
      %shift_left3A_289 = arith.shli %add3A_285, %shift_left3A_288 : vector<16xi32>
      %shift_right_logical3A_290 = arith.constant 19 : i32
      %shift_right_logical3A_291 = vector.broadcast %shift_right_logical3A_290 : i32 to vector<16xi32>
      %shift_right_logical3A_292 = arith.shrui %add3A_285, %shift_right_logical3A_291 : vector<16xi32>
      %or3A_293 = arith.ori %shift_left3A_289, %shift_right_logical3A_292 : vector<16xi32>
      %xor3A_294 = arith.xori %or3A_293, %add3A_286 : vector<16xi32>
      %add3A_295 = arith.addi %add3A_286, %xor3A_294 : vector<16xi32>
      %shift_left3A_296 = arith.constant 15 : i32
      %shift_left3A_297 = vector.broadcast %shift_left3A_296 : i32 to vector<16xi32>
      %shift_left3A_298 = arith.shli %xor3A_294, %shift_left3A_297 : vector<16xi32>
      %shift_right_logical3A_299 = arith.constant 17 : i32
      %shift_right_logical3A_300 = vector.broadcast %shift_right_logical3A_299 : i32 to vector<16xi32>
      %shift_right_logical3A_301 = arith.shrui %xor3A_294, %shift_right_logical3A_300 : vector<16xi32>
      %or3A_302 = arith.ori %shift_left3A_298, %shift_right_logical3A_301 : vector<16xi32>
      %xor3A_303 = arith.xori %or3A_302, %add3A_295 : vector<16xi32>
      %add3A_304 = arith.addi %add3A_295, %xor3A_303 : vector<16xi32>
      %shift_left3A_305 = arith.constant 26 : i32
      %shift_left3A_306 = vector.broadcast %shift_left3A_305 : i32 to vector<16xi32>
      %shift_left3A_307 = arith.shli %xor3A_303, %shift_left3A_306 : vector<16xi32>
      %shift_right_logical3A_308 = arith.constant 6 : i32
      %shift_right_logical3A_309 = vector.broadcast %shift_right_logical3A_308 : i32 to vector<16xi32>
      %shift_right_logical3A_310 = arith.shrui %xor3A_303, %shift_right_logical3A_309 : vector<16xi32>
      %or3A_311 = arith.ori %shift_left3A_307, %shift_right_logical3A_310 : vector<16xi32>
      %xor3A_312 = arith.xori %or3A_311, %add3A_304 : vector<16xi32>
      %add3A_313 = arith.addi %add3A_304, %xor3A_312 : vector<16xi32>
      %shift_left3A_314 = arith.constant 6 : i32
      %shift_left3A_315 = vector.broadcast %shift_left3A_314 : i32 to vector<16xi32>
      %shift_left3A_316 = arith.shli %xor3A_312, %shift_left3A_315 : vector<16xi32>
      %shift_right_logical3A_317 = arith.constant 26 : i32
      %shift_right_logical3A_318 = vector.broadcast %shift_right_logical3A_317 : i32 to vector<16xi32>
      %shift_right_logical3A_319 = arith.shrui %xor3A_312, %shift_right_logical3A_318 : vector<16xi32>
      %or3A_320 = arith.ori %shift_left3A_316, %shift_right_logical3A_319 : vector<16xi32>
      %xor3A_321 = arith.xori %or3A_320, %add3A_313 : vector<16xi32>
      %add3A_322 = arith.constant 42 : i32
      %add3A_323 = vector.broadcast %add3A_322 : i32 to vector<16xi32>
      %add3A_324 = arith.addi %add3A_313, %add3A_323 : vector<16xi32>
      %add3A_325 = arith.constant 466689009 : i32
      %add3A_326 = vector.broadcast %add3A_325 : i32 to vector<16xi32>
      %add3A_327 = arith.addi %xor3A_321, %add3A_326 : vector<16xi32>
      %add3A_328 = arith.addi %add3A_324, %add3A_327 : vector<16xi32>
      %shift_left3A_329 = arith.constant 17 : i32
      %shift_left3A_330 = vector.broadcast %shift_left3A_329 : i32 to vector<16xi32>
      %shift_left3A_331 = arith.shli %add3A_327, %shift_left3A_330 : vector<16xi32>
      %shift_right_logical3A_332 = arith.constant 15 : i32
      %shift_right_logical3A_333 = vector.broadcast %shift_right_logical3A_332 : i32 to vector<16xi32>
      %shift_right_logical3A_334 = arith.shrui %add3A_327, %shift_right_logical3A_333 : vector<16xi32>
      %or3A_335 = arith.ori %shift_left3A_331, %shift_right_logical3A_334 : vector<16xi32>
      %xor3A_336 = arith.xori %or3A_335, %add3A_328 : vector<16xi32>
      %add3A_337 = arith.addi %add3A_328, %xor3A_336 : vector<16xi32>
      %shift_left3A_338 = arith.constant 29 : i32
      %shift_left3A_339 = vector.broadcast %shift_left3A_338 : i32 to vector<16xi32>
      %shift_left3A_340 = arith.shli %xor3A_336, %shift_left3A_339 : vector<16xi32>
      %shift_right_logical3A_341 = arith.constant 3 : i32
      %shift_right_logical3A_342 = vector.broadcast %shift_right_logical3A_341 : i32 to vector<16xi32>
      %shift_right_logical3A_343 = arith.shrui %xor3A_336, %shift_right_logical3A_342 : vector<16xi32>
      %or3A_344 = arith.ori %shift_left3A_340, %shift_right_logical3A_343 : vector<16xi32>
      %xor3A_345 = arith.xori %or3A_344, %add3A_337 : vector<16xi32>
      %add3A_346 = arith.addi %add3A_337, %xor3A_345 : vector<16xi32>
      %shift_left3A_347 = arith.constant 16 : i32
      %shift_left3A_348 = vector.broadcast %shift_left3A_347 : i32 to vector<16xi32>
      %shift_left3A_349 = arith.shli %xor3A_345, %shift_left3A_348 : vector<16xi32>
      %shift_right_logical3A_350 = arith.constant 16 : i32
      %shift_right_logical3A_351 = vector.broadcast %shift_right_logical3A_350 : i32 to vector<16xi32>
      %shift_right_logical3A_352 = arith.shrui %xor3A_345, %shift_right_logical3A_351 : vector<16xi32>
      %or3A_353 = arith.ori %shift_left3A_349, %shift_right_logical3A_352 : vector<16xi32>
      %xor3A_354 = arith.xori %or3A_353, %add3A_346 : vector<16xi32>
      %add3A_355 = arith.addi %add3A_346, %xor3A_354 : vector<16xi32>
      %shift_left3A_356 = arith.constant 24 : i32
      %shift_left3A_357 = vector.broadcast %shift_left3A_356 : i32 to vector<16xi32>
      %shift_left3A_358 = arith.shli %xor3A_354, %shift_left3A_357 : vector<16xi32>
      %shift_right_logical3A_359 = arith.constant 8 : i32
      %shift_right_logical3A_360 = vector.broadcast %shift_right_logical3A_359 : i32 to vector<16xi32>
      %shift_right_logical3A_361 = arith.shrui %xor3A_354, %shift_right_logical3A_360 : vector<16xi32>
      %or3A_362 = arith.ori %shift_left3A_358, %shift_right_logical3A_361 : vector<16xi32>
      %xor3A_363 = arith.xori %or3A_362, %add3A_355 : vector<16xi32>
      %add3A_364 = arith.constant 466689008 : i32
      %add3A_365 = vector.broadcast %add3A_364 : i32 to vector<16xi32>
      %add3A_366 = arith.addi %add3A_355, %add3A_365 : vector<16xi32>
      %add3A_367 = arith.constant 2 : i32
      %add3A_368 = vector.broadcast %add3A_367 : i32 to vector<16xi32>
      %add3A_369 = arith.addi %xor3A_363, %add3A_368 : vector<16xi32>
      %add3A_370 = arith.addi %add3A_366, %add3A_369 : vector<16xi32>
      %shift_left3A_371 = arith.constant 13 : i32
      %shift_left3A_372 = vector.broadcast %shift_left3A_371 : i32 to vector<16xi32>
      %shift_left3A_373 = arith.shli %add3A_369, %shift_left3A_372 : vector<16xi32>
      %shift_right_logical3A_374 = arith.constant 19 : i32
      %shift_right_logical3A_375 = vector.broadcast %shift_right_logical3A_374 : i32 to vector<16xi32>
      %shift_right_logical3A_376 = arith.shrui %add3A_369, %shift_right_logical3A_375 : vector<16xi32>
      %or3A_377 = arith.ori %shift_left3A_373, %shift_right_logical3A_376 : vector<16xi32>
      %xor3A_378 = arith.xori %or3A_377, %add3A_370 : vector<16xi32>
      %add3A_379 = arith.addi %add3A_370, %xor3A_378 : vector<16xi32>
      %shift_left3A_380 = arith.constant 15 : i32
      %shift_left3A_381 = vector.broadcast %shift_left3A_380 : i32 to vector<16xi32>
      %shift_left3A_382 = arith.shli %xor3A_378, %shift_left3A_381 : vector<16xi32>
      %shift_right_logical3A_383 = arith.constant 17 : i32
      %shift_right_logical3A_384 = vector.broadcast %shift_right_logical3A_383 : i32 to vector<16xi32>
      %shift_right_logical3A_385 = arith.shrui %xor3A_378, %shift_right_logical3A_384 : vector<16xi32>
      %or3A_386 = arith.ori %shift_left3A_382, %shift_right_logical3A_385 : vector<16xi32>
      %xor3A_387 = arith.xori %or3A_386, %add3A_379 : vector<16xi32>
      %add3A_388 = arith.addi %add3A_379, %xor3A_387 : vector<16xi32>
      %shift_left3A_389 = arith.constant 26 : i32
      %shift_left3A_390 = vector.broadcast %shift_left3A_389 : i32 to vector<16xi32>
      %shift_left3A_391 = arith.shli %xor3A_387, %shift_left3A_390 : vector<16xi32>
      %shift_right_logical3A_392 = arith.constant 6 : i32
      %shift_right_logical3A_393 = vector.broadcast %shift_right_logical3A_392 : i32 to vector<16xi32>
      %shift_right_logical3A_394 = arith.shrui %xor3A_387, %shift_right_logical3A_393 : vector<16xi32>
      %or3A_395 = arith.ori %shift_left3A_391, %shift_right_logical3A_394 : vector<16xi32>
      %xor3A_396 = arith.xori %or3A_395, %add3A_388 : vector<16xi32>
      %add3A_397 = arith.addi %add3A_388, %xor3A_396 : vector<16xi32>
      %shift_left3A_398 = arith.constant 6 : i32
      %shift_left3A_399 = vector.broadcast %shift_left3A_398 : i32 to vector<16xi32>
      %shift_left3A_400 = arith.shli %xor3A_396, %shift_left3A_399 : vector<16xi32>
      %shift_right_logical3A_401 = arith.constant 26 : i32
      %shift_right_logical3A_402 = vector.broadcast %shift_right_logical3A_401 : i32 to vector<16xi32>
      %shift_right_logical3A_403 = arith.shrui %xor3A_396, %shift_right_logical3A_402 : vector<16xi32>
      %or3A_404 = arith.ori %shift_left3A_400, %shift_right_logical3A_403 : vector<16xi32>
      %xor3A_405 = arith.xori %or3A_404, %add3A_397 : vector<16xi32>
      %add3A_406 = arith.constant 0 : i32
      %add3A_407 = vector.broadcast %add3A_406 : i32 to vector<16xi32>
      %add3A_408 = arith.addi %add3A_397, %add3A_407 : vector<16xi32>
      %add3A_409 = arith.constant 45 : i32
      %add3A_410 = vector.broadcast %add3A_409 : i32 to vector<16xi32>
      %add3A_411 = arith.addi %xor3A_405, %add3A_410 : vector<16xi32>
      %add3A_412 = arith.addi %add3A_408, %add3A_411 : vector<16xi32>
      %shift_left3A_413 = arith.constant 17 : i32
      %shift_left3A_414 = vector.broadcast %shift_left3A_413 : i32 to vector<16xi32>
      %shift_left3A_415 = arith.shli %add3A_411, %shift_left3A_414 : vector<16xi32>
      %shift_right_logical3A_416 = arith.constant 15 : i32
      %shift_right_logical3A_417 = vector.broadcast %shift_right_logical3A_416 : i32 to vector<16xi32>
      %shift_right_logical3A_418 = arith.shrui %add3A_411, %shift_right_logical3A_417 : vector<16xi32>
      %or3A_419 = arith.ori %shift_left3A_415, %shift_right_logical3A_418 : vector<16xi32>
      %xor3A_420 = arith.xori %or3A_419, %add3A_412 : vector<16xi32>
      %add3A_421 = arith.addi %add3A_412, %xor3A_420 : vector<16xi32>
      %shift_left3A_422 = arith.constant 29 : i32
      %shift_left3A_423 = vector.broadcast %shift_left3A_422 : i32 to vector<16xi32>
      %shift_left3A_424 = arith.shli %xor3A_420, %shift_left3A_423 : vector<16xi32>
      %shift_right_logical3A_425 = arith.constant 3 : i32
      %shift_right_logical3A_426 = vector.broadcast %shift_right_logical3A_425 : i32 to vector<16xi32>
      %shift_right_logical3A_427 = arith.shrui %xor3A_420, %shift_right_logical3A_426 : vector<16xi32>
      %or3A_428 = arith.ori %shift_left3A_424, %shift_right_logical3A_427 : vector<16xi32>
      %xor3A_429 = arith.xori %or3A_428, %add3A_421 : vector<16xi32>
      %add3A_430 = arith.addi %add3A_421, %xor3A_429 : vector<16xi32>
      %shift_left3A_431 = arith.constant 16 : i32
      %shift_left3A_432 = vector.broadcast %shift_left3A_431 : i32 to vector<16xi32>
      %shift_left3A_433 = arith.shli %xor3A_429, %shift_left3A_432 : vector<16xi32>
      %shift_right_logical3A_434 = arith.constant 16 : i32
      %shift_right_logical3A_435 = vector.broadcast %shift_right_logical3A_434 : i32 to vector<16xi32>
      %shift_right_logical3A_436 = arith.shrui %xor3A_429, %shift_right_logical3A_435 : vector<16xi32>
      %or3A_437 = arith.ori %shift_left3A_433, %shift_right_logical3A_436 : vector<16xi32>
      %xor3A_438 = arith.xori %or3A_437, %add3A_430 : vector<16xi32>
      %add3A_439 = arith.addi %add3A_430, %xor3A_438 : vector<16xi32>
      %shift_left3A_440 = arith.constant 24 : i32
      %shift_left3A_441 = vector.broadcast %shift_left3A_440 : i32 to vector<16xi32>
      %shift_left3A_442 = arith.shli %xor3A_438, %shift_left3A_441 : vector<16xi32>
      %shift_right_logical3A_443 = arith.constant 8 : i32
      %shift_right_logical3A_444 = vector.broadcast %shift_right_logical3A_443 : i32 to vector<16xi32>
      %shift_right_logical3A_445 = arith.shrui %xor3A_438, %shift_right_logical3A_444 : vector<16xi32>
      %or3A_446 = arith.ori %shift_left3A_442, %shift_right_logical3A_445 : vector<16xi32>
      %xor3A_447 = arith.xori %or3A_446, %add3A_439 : vector<16xi32>
      %add3A_448 = arith.constant 42 : i32
      %add3A_449 = vector.broadcast %add3A_448 : i32 to vector<16xi32>
      %add3A_450 = arith.addi %add3A_439, %add3A_449 : vector<16xi32>
      %add3A_451 = arith.constant 466689012 : i32
      %add3A_452 = vector.broadcast %add3A_451 : i32 to vector<16xi32>
      %add3A_453 = arith.addi %xor3A_447, %add3A_452 : vector<16xi32>
      %add3A_454 = arith.addi %add3A_450, %add3A_453 : vector<16xi32>
      %shift_left3A_455 = arith.constant 13 : i32
      %shift_left3A_456 = vector.broadcast %shift_left3A_455 : i32 to vector<16xi32>
      %shift_left3A_457 = arith.shli %add3A_453, %shift_left3A_456 : vector<16xi32>
      %shift_right_logical3A_458 = arith.constant 19 : i32
      %shift_right_logical3A_459 = vector.broadcast %shift_right_logical3A_458 : i32 to vector<16xi32>
      %shift_right_logical3A_460 = arith.shrui %add3A_453, %shift_right_logical3A_459 : vector<16xi32>
      %or3A_461 = arith.ori %shift_left3A_457, %shift_right_logical3A_460 : vector<16xi32>
      %xor3A_462 = arith.xori %or3A_461, %add3A_454 : vector<16xi32>
      %add3A_463 = arith.addi %add3A_454, %xor3A_462 : vector<16xi32>
      %shift_left3A_464 = arith.constant 15 : i32
      %shift_left3A_465 = vector.broadcast %shift_left3A_464 : i32 to vector<16xi32>
      %shift_left3A_466 = arith.shli %xor3A_462, %shift_left3A_465 : vector<16xi32>
      %shift_right_logical3A_467 = arith.constant 17 : i32
      %shift_right_logical3A_468 = vector.broadcast %shift_right_logical3A_467 : i32 to vector<16xi32>
      %shift_right_logical3A_469 = arith.shrui %xor3A_462, %shift_right_logical3A_468 : vector<16xi32>
      %or3A_470 = arith.ori %shift_left3A_466, %shift_right_logical3A_469 : vector<16xi32>
      %xor3A_471 = arith.xori %or3A_470, %add3A_463 : vector<16xi32>
      %add3A_472 = arith.addi %add3A_463, %xor3A_471 : vector<16xi32>
      %shift_left3A_473 = arith.constant 26 : i32
      %shift_left3A_474 = vector.broadcast %shift_left3A_473 : i32 to vector<16xi32>
      %shift_left3A_475 = arith.shli %xor3A_471, %shift_left3A_474 : vector<16xi32>
      %shift_right_logical3A_476 = arith.constant 6 : i32
      %shift_right_logical3A_477 = vector.broadcast %shift_right_logical3A_476 : i32 to vector<16xi32>
      %shift_right_logical3A_478 = arith.shrui %xor3A_471, %shift_right_logical3A_477 : vector<16xi32>
      %or3A_479 = arith.ori %shift_left3A_475, %shift_right_logical3A_478 : vector<16xi32>
      %xor3A_480 = arith.xori %or3A_479, %add3A_472 : vector<16xi32>
      %add3A_481 = arith.addi %add3A_472, %xor3A_480 : vector<16xi32>
      %shift_left3A_482 = arith.constant 6 : i32
      %shift_left3A_483 = vector.broadcast %shift_left3A_482 : i32 to vector<16xi32>
      %shift_left3A_484 = arith.shli %xor3A_480, %shift_left3A_483 : vector<16xi32>
      %shift_right_logical3A_485 = arith.constant 26 : i32
      %shift_right_logical3A_486 = vector.broadcast %shift_right_logical3A_485 : i32 to vector<16xi32>
      %shift_right_logical3A_487 = arith.shrui %xor3A_480, %shift_right_logical3A_486 : vector<16xi32>
      %or3A_488 = arith.ori %shift_left3A_484, %shift_right_logical3A_487 : vector<16xi32>
      %xor3A_489 = arith.xori %or3A_488, %add3A_481 : vector<16xi32>
      %add3A_490 = arith.constant 466689008 : i32
      %add3A_491 = vector.broadcast %add3A_490 : i32 to vector<16xi32>
      %add3A_492 = arith.addi %add3A_481, %add3A_491 : vector<16xi32>
      %add3A_493 = arith.constant 5 : i32
      %add3A_494 = vector.broadcast %add3A_493 : i32 to vector<16xi32>
      %add3A_495 = arith.addi %xor3A_489, %add3A_494 : vector<16xi32>
      %xor3A_496 = arith.xori %add3A_492, %add3A_495 : vector<16xi32>
      %shift_right_logical3A_497 = arith.constant 9 : i32
      %shift_right_logical3A_498 = vector.broadcast %shift_right_logical3A_497 : i32 to vector<16xi32>
      %shift_right_logical3A_499 = arith.shrui %xor3A_496, %shift_right_logical3A_498 : vector<16xi32>
      %lt3A_500 = arith.constant 838861 : i32
      %lt3A_501 = vector.broadcast %lt3A_500 : i32 to vector<16xi32>
      %lt3A_502 = arith.cmpi slt, %shift_right_logical3A_499, %lt3A_501 : vector<16xi32>
      %get3A_503 = arith.index_cast %add3A_277 : i32 to index
      %get3A_504 = tpu.vector_load %arg4[%get3A_503] {strides = array<i32>} : memref<1024xi32, #tpu.memory_space<vmem>>, vector<16xi32>,
      %get3A_505 = vector.shape_cast %get3A_504 : vector<16xi32> to vector<16xi32>
      %jit3A_506 = arith.constant 22 : i32
      %broadcast_in_dim3A_507 = vector.broadcast %jit3A_506 : i32 to vector<16xi32>
      %select_n3A_508 = arith.select %lt3A_502, %broadcast_in_dim3A_507, %get3A_505 : vector<16xi1>, vector<16xi32>
      %swap3A_509 = arith.index_cast %add3A_277 : i32 to index
      %swap3A_510 = tpu.vector_load %arg4[%swap3A_509] {strides = array<i32>} : memref<1024xi32, #tpu.memory_space<vmem>>, vector<16xi32>,
      %swap3A_511 = vector.shape_cast %swap3A_510 : vector<16xi32> to vector<16xi32>
      %swap3A_512 = vector.shape_cast %select_n3A_508 : vector<16xi32> to vector<16xi32>
      tpu.vector_store %arg4[%swap3A_509], %swap3A_512 {strides = array<i32>} : memref<1024xi32, #tpu.memory_space<vmem>>, vector<16xi32>,
      %mul3A_513 = arith.constant 64 : i32
      %mul3A_514 = arith.muli %scan3A_41, %mul3A_513 : i32
      %add3A_515 = arith.constant 32 : i32
      %add3A_516 = arith.addi %mul3A_514, %add3A_515 : i32
      %add3A_517 = arith.addi %add3A_35, %add3A_516 : i32
      %add3A_518 = vector.broadcast %add3A_517 : i32 to vector<16xi32>
      %add3A_519 = arith.addi %add3A_518, %iota3A : vector<16xi32>
      %broadcast_in_dim3A_520 = arith.constant 0 : i32
      %broadcast_in_dim3A_521 = vector.broadcast %broadcast_in_dim3A_520 : i32 to vector<16xi32>
      %add3A_522 = arith.constant 42 : i32
      %add3A_523 = vector.broadcast %add3A_522 : i32 to vector<16xi32>
      %add3A_524 = arith.addi %add3A_519, %add3A_523 : vector<16xi32>
      %add3A_525 = arith.addi %broadcast_in_dim3A_521, %add3A_524 : vector<16xi32>
      %shift_left3A_526 = arith.constant 13 : i32
      %shift_left3A_527 = vector.broadcast %shift_left3A_526 : i32 to vector<16xi32>
      %shift_left3A_528 = arith.shli %add3A_524, %shift_left3A_527 : vector<16xi32>
      %shift_right_logical3A_529 = arith.constant 19 : i32
      %shift_right_logical3A_530 = vector.broadcast %shift_right_logical3A_529 : i32 to vector<16xi32>
      %shift_right_logical3A_531 = arith.shrui %add3A_524, %shift_right_logical3A_530 : vector<16xi32>
      %or3A_532 = arith.ori %shift_left3A_528, %shift_right_logical3A_531 : vector<16xi32>
      %xor3A_533 = arith.xori %or3A_532, %add3A_525 : vector<16xi32>
      %add3A_534 = arith.addi %add3A_525, %xor3A_533 : vector<16xi32>
      %shift_left3A_535 = arith.constant 15 : i32
      %shift_left3A_536 = vector.broadcast %shift_left3A_535 : i32 to vector<16xi32>
      %shift_left3A_537 = arith.shli %xor3A_533, %shift_left3A_536 : vector<16xi32>
      %shift_right_logical3A_538 = arith.constant 17 : i32
      %shift_right_logical3A_539 = vector.broadcast %shift_right_logical3A_538 : i32 to vector<16xi32>
      %shift_right_logical3A_540 = arith.shrui %xor3A_533, %shift_right_logical3A_539 : vector<16xi32>
      %or3A_541 = arith.ori %shift_left3A_537, %shift_right_logical3A_540 : vector<16xi32>
      %xor3A_542 = arith.xori %or3A_541, %add3A_534 : vector<16xi32>
      %add3A_543 = arith.addi %add3A_534, %xor3A_542 : vector<16xi32>
      %shift_left3A_544 = arith.constant 26 : i32
      %shift_left3A_545 = vector.broadcast %shift_left3A_544 : i32 to vector<16xi32>
      %shift_left3A_546 = arith.shli %xor3A_542, %shift_left3A_545 : vector<16xi32>
      %shift_right_logical3A_547 = arith.constant 6 : i32
      %shift_right_logical3A_548 = vector.broadcast %shift_right_logical3A_547 : i32 to vector<16xi32>
      %shift_right_logical3A_549 = arith.shrui %xor3A_542, %shift_right_logical3A_548 : vector<16xi32>
      %or3A_550 = arith.ori %shift_left3A_546, %shift_right_logical3A_549 : vector<16xi32>
      %xor3A_551 = arith.xori %or3A_550, %add3A_543 : vector<16xi32>
      %add3A_552 = arith.addi %add3A_543, %xor3A_551 : vector<16xi32>
      %shift_left3A_553 = arith.constant 6 : i32
      %shift_left3A_554 = vector.broadcast %shift_left3A_553 : i32 to vector<16xi32>
      %shift_left3A_555 = arith.shli %xor3A_551, %shift_left3A_554 : vector<16xi32>
      %shift_right_logical3A_556 = arith.constant 26 : i32
      %shift_right_logical3A_557 = vector.broadcast %shift_right_logical3A_556 : i32 to vector<16xi32>
      %shift_right_logical3A_558 = arith.shrui %xor3A_551, %shift_right_logical3A_557 : vector<16xi32>
      %or3A_559 = arith.ori %shift_left3A_555, %shift_right_logical3A_558 : vector<16xi32>
      %xor3A_560 = arith.xori %or3A_559, %add3A_552 : vector<16xi32>
      %add3A_561 = arith.constant 42 : i32
      %add3A_562 = vector.broadcast %add3A_561 : i32 to vector<16xi32>
      %add3A_563 = arith.addi %add3A_552, %add3A_562 : vector<16xi32>
      %add3A_564 = arith.constant 466689009 : i32
      %add3A_565 = vector.broadcast %add3A_564 : i32 to vector<16xi32>
      %add3A_566 = arith.addi %xor3A_560, %add3A_565 : vector<16xi32>
      %add3A_567 = arith.addi %add3A_563, %add3A_566 : vector<16xi32>
      %shift_left3A_568 = arith.constant 17 : i32
      %shift_left3A_569 = vector.broadcast %shift_left3A_568 : i32 to vector<16xi32>
      %shift_left3A_570 = arith.shli %add3A_566, %shift_left3A_569 : vector<16xi32>
      %shift_right_logical3A_571 = arith.constant 15 : i32
      %shift_right_logical3A_572 = vector.broadcast %shift_right_logical3A_571 : i32 to vector<16xi32>
      %shift_right_logical3A_573 = arith.shrui %add3A_566, %shift_right_logical3A_572 : vector<16xi32>
      %or3A_574 = arith.ori %shift_left3A_570, %shift_right_logical3A_573 : vector<16xi32>
      %xor3A_575 = arith.xori %or3A_574, %add3A_567 : vector<16xi32>
      %add3A_576 = arith.addi %add3A_567, %xor3A_575 : vector<16xi32>
      %shift_left3A_577 = arith.constant 29 : i32
      %shift_left3A_578 = vector.broadcast %shift_left3A_577 : i32 to vector<16xi32>
      %shift_left3A_579 = arith.shli %xor3A_575, %shift_left3A_578 : vector<16xi32>
      %shift_right_logical3A_580 = arith.constant 3 : i32
      %shift_right_logical3A_581 = vector.broadcast %shift_right_logical3A_580 : i32 to vector<16xi32>
      %shift_right_logical3A_582 = arith.shrui %xor3A_575, %shift_right_logical3A_581 : vector<16xi32>
      %or3A_583 = arith.ori %shift_left3A_579, %shift_right_logical3A_582 : vector<16xi32>
      %xor3A_584 = arith.xori %or3A_583, %add3A_576 : vector<16xi32>
      %add3A_585 = arith.addi %add3A_576, %xor3A_584 : vector<16xi32>
      %shift_left3A_586 = arith.constant 16 : i32
      %shift_left3A_587 = vector.broadcast %shift_left3A_586 : i32 to vector<16xi32>
      %shift_left3A_588 = arith.shli %xor3A_584, %shift_left3A_587 : vector<16xi32>
      %shift_right_logical3A_589 = arith.constant 16 : i32
      %shift_right_logical3A_590 = vector.broadcast %shift_right_logical3A_589 : i32 to vector<16xi32>
      %shift_right_logical3A_591 = arith.shrui %xor3A_584, %shift_right_logical3A_590 : vector<16xi32>
      %or3A_592 = arith.ori %shift_left3A_588, %shift_right_logical3A_591 : vector<16xi32>
      %xor3A_593 = arith.xori %or3A_592, %add3A_585 : vector<16xi32>
      %add3A_594 = arith.addi %add3A_585, %xor3A_593 : vector<16xi32>
      %shift_left3A_595 = arith.constant 24 : i32
      %shift_left3A_596 = vector.broadcast %shift_left3A_595 : i32 to vector<16xi32>
      %shift_left3A_597 = arith.shli %xor3A_593, %shift_left3A_596 : vector<16xi32>
      %shift_right_logical3A_598 = arith.constant 8 : i32
      %shift_right_logical3A_599 = vector.broadcast %shift_right_logical3A_598 : i32 to vector<16xi32>
      %shift_right_logical3A_600 = arith.shrui %xor3A_593, %shift_right_logical3A_599 : vector<16xi32>
      %or3A_601 = arith.ori %shift_left3A_597, %shift_right_logical3A_600 : vector<16xi32>
      %xor3A_602 = arith.xori %or3A_601, %add3A_594 : vector<16xi32>
      %add3A_603 = arith.constant 466689008 : i32
      %add3A_604 = vector.broadcast %add3A_603 : i32 to vector<16xi32>
      %add3A_605 = arith.addi %add3A_594, %add3A_604 : vector<16xi32>
      %add3A_606 = arith.constant 2 : i32
      %add3A_607 = vector.broadcast %add3A_606 : i32 to vector<16xi32>
      %add3A_608 = arith.addi %xor3A_602, %add3A_607 : vector<16xi32>
      %add3A_609 = arith.addi %add3A_605, %add3A_608 : vector<16xi32>
      %shift_left3A_610 = arith.constant 13 : i32
      %shift_left3A_611 = vector.broadcast %shift_left3A_610 : i32 to vector<16xi32>
      %shift_left3A_612 = arith.shli %add3A_608, %shift_left3A_611 : vector<16xi32>
      %shift_right_logical3A_613 = arith.constant 19 : i32
      %shift_right_logical3A_614 = vector.broadcast %shift_right_logical3A_613 : i32 to vector<16xi32>
      %shift_right_logical3A_615 = arith.shrui %add3A_608, %shift_right_logical3A_614 : vector<16xi32>
      %or3A_616 = arith.ori %shift_left3A_612, %shift_right_logical3A_615 : vector<16xi32>
      %xor3A_617 = arith.xori %or3A_616, %add3A_609 : vector<16xi32>
      %add3A_618 = arith.addi %add3A_609, %xor3A_617 : vector<16xi32>
      %shift_left3A_619 = arith.constant 15 : i32
      %shift_left3A_620 = vector.broadcast %shift_left3A_619 : i32 to vector<16xi32>
      %shift_left3A_621 = arith.shli %xor3A_617, %shift_left3A_620 : vector<16xi32>
      %shift_right_logical3A_622 = arith.constant 17 : i32
      %shift_right_logical3A_623 = vector.broadcast %shift_right_logical3A_622 : i32 to vector<16xi32>
      %shift_right_logical3A_624 = arith.shrui %xor3A_617, %shift_right_logical3A_623 : vector<16xi32>
      %or3A_625 = arith.ori %shift_left3A_621, %shift_right_logical3A_624 : vector<16xi32>
      %xor3A_626 = arith.xori %or3A_625, %add3A_618 : vector<16xi32>
      %add3A_627 = arith.addi %add3A_618, %xor3A_626 : vector<16xi32>
      %shift_left3A_628 = arith.constant 26 : i32
      %shift_left3A_629 = vector.broadcast %shift_left3A_628 : i32 to vector<16xi32>
      %shift_left3A_630 = arith.shli %xor3A_626, %shift_left3A_629 : vector<16xi32>
      %shift_right_logical3A_631 = arith.constant 6 : i32
      %shift_right_logical3A_632 = vector.broadcast %shift_right_logical3A_631 : i32 to vector<16xi32>
      %shift_right_logical3A_633 = arith.shrui %xor3A_626, %shift_right_logical3A_632 : vector<16xi32>
      %or3A_634 = arith.ori %shift_left3A_630, %shift_right_logical3A_633 : vector<16xi32>
      %xor3A_635 = arith.xori %or3A_634, %add3A_627 : vector<16xi32>
      %add3A_636 = arith.addi %add3A_627, %xor3A_635 : vector<16xi32>
      %shift_left3A_637 = arith.constant 6 : i32
      %shift_left3A_638 = vector.broadcast %shift_left3A_637 : i32 to vector<16xi32>
      %shift_left3A_639 = arith.shli %xor3A_635, %shift_left3A_638 : vector<16xi32>
      %shift_right_logical3A_640 = arith.constant 26 : i32
      %shift_right_logical3A_641 = vector.broadcast %shift_right_logical3A_640 : i32 to vector<16xi32>
      %shift_right_logical3A_642 = arith.shrui %xor3A_635, %shift_right_logical3A_641 : vector<16xi32>
      %or3A_643 = arith.ori %shift_left3A_639, %shift_right_logical3A_642 : vector<16xi32>
      %xor3A_644 = arith.xori %or3A_643, %add3A_636 : vector<16xi32>
      %add3A_645 = arith.constant 0 : i32
      %add3A_646 = vector.broadcast %add3A_645 : i32 to vector<16xi32>
      %add3A_647 = arith.addi %add3A_636, %add3A_646 : vector<16xi32>
      %add3A_648 = arith.constant 45 : i32
      %add3A_649 = vector.broadcast %add3A_648 : i32 to vector<16xi32>
      %add3A_650 = arith.addi %xor3A_644, %add3A_649 : vector<16xi32>
      %add3A_651 = arith.addi %add3A_647, %add3A_650 : vector<16xi32>
      %shift_left3A_652 = arith.constant 17 : i32
      %shift_left3A_653 = vector.broadcast %shift_left3A_652 : i32 to vector<16xi32>
      %shift_left3A_654 = arith.shli %add3A_650, %shift_left3A_653 : vector<16xi32>
      %shift_right_logical3A_655 = arith.constant 15 : i32
      %shift_right_logical3A_656 = vector.broadcast %shift_right_logical3A_655 : i32 to vector<16xi32>
      %shift_right_logical3A_657 = arith.shrui %add3A_650, %shift_right_logical3A_656 : vector<16xi32>
      %or3A_658 = arith.ori %shift_left3A_654, %shift_right_logical3A_657 : vector<16xi32>
      %xor3A_659 = arith.xori %or3A_658, %add3A_651 : vector<16xi32>
      %add3A_660 = arith.addi %add3A_651, %xor3A_659 : vector<16xi32>
      %shift_left3A_661 = arith.constant 29 : i32
      %shift_left3A_662 = vector.broadcast %shift_left3A_661 : i32 to vector<16xi32>
      %shift_left3A_663 = arith.shli %xor3A_659, %shift_left3A_662 : vector<16xi32>
      %shift_right_logical3A_664 = arith.constant 3 : i32
      %shift_right_logical3A_665 = vector.broadcast %shift_right_logical3A_664 : i32 to vector<16xi32>
      %shift_right_logical3A_666 = arith.shrui %xor3A_659, %shift_right_logical3A_665 : vector<16xi32>
      %or3A_667 = arith.ori %shift_left3A_663, %shift_right_logical3A_666 : vector<16xi32>
      %xor3A_668 = arith.xori %or3A_667, %add3A_660 : vector<16xi32>
      %add3A_669 = arith.addi %add3A_660, %xor3A_668 : vector<16xi32>
      %shift_left3A_670 = arith.constant 16 : i32
      %shift_left3A_671 = vector.broadcast %shift_left3A_670 : i32 to vector<16xi32>
      %shift_left3A_672 = arith.shli %xor3A_668, %shift_left3A_671 : vector<16xi32>
      %shift_right_logical3A_673 = arith.constant 16 : i32
      %shift_right_logical3A_674 = vector.broadcast %shift_right_logical3A_673 : i32 to vector<16xi32>
      %shift_right_logical3A_675 = arith.shrui %xor3A_668, %shift_right_logical3A_674 : vector<16xi32>
      %or3A_676 = arith.ori %shift_left3A_672, %shift_right_logical3A_675 : vector<16xi32>
      %xor3A_677 = arith.xori %or3A_676, %add3A_669 : vector<16xi32>
      %add3A_678 = arith.addi %add3A_669, %xor3A_677 : vector<16xi32>
      %shift_left3A_679 = arith.constant 24 : i32
      %shift_left3A_680 = vector.broadcast %shift_left3A_679 : i32 to vector<16xi32>
      %shift_left3A_681 = arith.shli %xor3A_677, %shift_left3A_680 : vector<16xi32>
      %shift_right_logical3A_682 = arith.constant 8 : i32
      %shift_right_logical3A_683 = vector.broadcast %shift_right_logical3A_682 : i32 to vector<16xi32>
      %shift_right_logical3A_684 = arith.shrui %xor3A_677, %shift_right_logical3A_683 : vector<16xi32>
      %or3A_685 = arith.ori %shift_left3A_681, %shift_right_logical3A_684 : vector<16xi32>
      %xor3A_686 = arith.xori %or3A_685, %add3A_678 : vector<16xi32>
      %add3A_687 = arith.constant 42 : i32
      %add3A_688 = vector.broadcast %add3A_687 : i32 to vector<16xi32>
      %add3A_689 = arith.addi %add3A_678, %add3A_688 : vector<16xi32>
      %add3A_690 = arith.constant 466689012 : i32
      %add3A_691 = vector.broadcast %add3A_690 : i32 to vector<16xi32>
      %add3A_692 = arith.addi %xor3A_686, %add3A_691 : vector<16xi32>
      %add3A_693 = arith.addi %add3A_689, %add3A_692 : vector<16xi32>
      %shift_left3A_694 = arith.constant 13 : i32
      %shift_left3A_695 = vector.broadcast %shift_left3A_694 : i32 to vector<16xi32>
      %shift_left3A_696 = arith.shli %add3A_692, %shift_left3A_695 : vector<16xi32>
      %shift_right_logical3A_697 = arith.constant 19 : i32
      %shift_right_logical3A_698 = vector.broadcast %shift_right_logical3A_697 : i32 to vector<16xi32>
      %shift_right_logical3A_699 = arith.shrui %add3A_692, %shift_right_logical3A_698 : vector<16xi32>
      %or3A_700 = arith.ori %shift_left3A_696, %shift_right_logical3A_699 : vector<16xi32>
      %xor3A_701 = arith.xori %or3A_700, %add3A_693 : vector<16xi32>
      %add3A_702 = arith.addi %add3A_693, %xor3A_701 : vector<16xi32>
      %shift_left3A_703 = arith.constant 15 : i32
      %shift_left3A_704 = vector.broadcast %shift_left3A_703 : i32 to vector<16xi32>
      %shift_left3A_705 = arith.shli %xor3A_701, %shift_left3A_704 : vector<16xi32>
      %shift_right_logical3A_706 = arith.constant 17 : i32
      %shift_right_logical3A_707 = vector.broadcast %shift_right_logical3A_706 : i32 to vector<16xi32>
      %shift_right_logical3A_708 = arith.shrui %xor3A_701, %shift_right_logical3A_707 : vector<16xi32>
      %or3A_709 = arith.ori %shift_left3A_705, %shift_right_logical3A_708 : vector<16xi32>
      %xor3A_710 = arith.xori %or3A_709, %add3A_702 : vector<16xi32>
      %add3A_711 = arith.addi %add3A_702, %xor3A_710 : vector<16xi32>
      %shift_left3A_712 = arith.constant 26 : i32
      %shift_left3A_713 = vector.broadcast %shift_left3A_712 : i32 to vector<16xi32>
      %shift_left3A_714 = arith.shli %xor3A_710, %shift_left3A_713 : vector<16xi32>
      %shift_right_logical3A_715 = arith.constant 6 : i32
      %shift_right_logical3A_716 = vector.broadcast %shift_right_logical3A_715 : i32 to vector<16xi32>
      %shift_right_logical3A_717 = arith.shrui %xor3A_710, %shift_right_logical3A_716 : vector<16xi32>
      %or3A_718 = arith.ori %shift_left3A_714, %shift_right_logical3A_717 : vector<16xi32>
      %xor3A_719 = arith.xori %or3A_718, %add3A_711 : vector<16xi32>
      %add3A_720 = arith.addi %add3A_711, %xor3A_719 : vector<16xi32>
      %shift_left3A_721 = arith.constant 6 : i32
      %shift_left3A_722 = vector.broadcast %shift_left3A_721 : i32 to vector<16xi32>
      %shift_left3A_723 = arith.shli %xor3A_719, %shift_left3A_722 : vector<16xi32>
      %shift_right_logical3A_724 = arith.constant 26 : i32
      %shift_right_logical3A_725 = vector.broadcast %shift_right_logical3A_724 : i32 to vector<16xi32>
      %shift_right_logical3A_726 = arith.shrui %xor3A_719, %shift_right_logical3A_725 : vector<16xi32>
      %or3A_727 = arith.ori %shift_left3A_723, %shift_right_logical3A_726 : vector<16xi32>
      %xor3A_728 = arith.xori %or3A_727, %add3A_720 : vector<16xi32>
      %add3A_729 = arith.constant 466689008 : i32
      %add3A_730 = vector.broadcast %add3A_729 : i32 to vector<16xi32>
      %add3A_731 = arith.addi %add3A_720, %add3A_730 : vector<16xi32>
      %add3A_732 = arith.constant 5 : i32
      %add3A_733 = vector.broadcast %add3A_732 : i32 to vector<16xi32>
      %add3A_734 = arith.addi %xor3A_728, %add3A_733 : vector<16xi32>
      %xor3A_735 = arith.xori %add3A_731, %add3A_734 : vector<16xi32>
      %shift_right_logical3A_736 = arith.constant 9 : i32
      %shift_right_logical3A_737 = vector.broadcast %shift_right_logical3A_736 : i32 to vector<16xi32>
      %shift_right_logical3A_738 = arith.shrui %xor3A_735, %shift_right_logical3A_737 : vector<16xi32>
      %lt3A_739 = arith.constant 838861 : i32
      %lt3A_740 = vector.broadcast %lt3A_739 : i32 to vector<16xi32>
      %lt3A_741 = arith.cmpi slt, %shift_right_logical3A_738, %lt3A_740 : vector<16xi32>
      %get3A_742 = arith.index_cast %add3A_516 : i32 to index
      %get3A_743 = tpu.vector_load %arg4[%get3A_742] {strides = array<i32>} : memref<1024xi32, #tpu.memory_space<vmem>>, vector<16xi32>,
      %get3A_744 = vector.shape_cast %get3A_743 : vector<16xi32> to vector<16xi32>
      %jit3A_745 = arith.constant 22 : i32
      %broadcast_in_dim3A_746 = vector.broadcast %jit3A_745 : i32 to vector<16xi32>
      %select_n3A_747 = arith.select %lt3A_741, %broadcast_in_dim3A_746, %get3A_744 : vector<16xi1>, vector<16xi32>
      %swap3A_748 = arith.index_cast %add3A_516 : i32 to index
      %swap3A_749 = tpu.vector_load %arg4[%swap3A_748] {strides = array<i32>} : memref<1024xi32, #tpu.memory_space<vmem>>, vector<16xi32>,
      %swap3A_750 = vector.shape_cast %swap3A_749 : vector<16xi32> to vector<16xi32>
      %swap3A_751 = vector.shape_cast %select_n3A_747 : vector<16xi32> to vector<16xi32>
      tpu.vector_store %arg4[%swap3A_748], %swap3A_751 {strides = array<i32>} : memref<1024xi32, #tpu.memory_space<vmem>>, vector<16xi32>,
      %mul3A_752 = arith.constant 64 : i32
      %mul3A_753 = arith.muli %scan3A_41, %mul3A_752 : i32
      %add3A_754 = arith.constant 48 : i32
      %add3A_755 = arith.addi %mul3A_753, %add3A_754 : i32
      %add3A_756 = arith.addi %add3A_35, %add3A_755 : i32
      %add3A_757 = vector.broadcast %add3A_756 : i32 to vector<16xi32>
      %add3A_758 = arith.addi %add3A_757, %iota3A : vector<16xi32>
      %broadcast_in_dim3A_759 = arith.constant 0 : i32
      %broadcast_in_dim3A_760 = vector.broadcast %broadcast_in_dim3A_759 : i32 to vector<16xi32>
      %add3A_761 = arith.constant 42 : i32
      %add3A_762 = vector.broadcast %add3A_761 : i32 to vector<16xi32>
      %add3A_763 = arith.addi %add3A_758, %add3A_762 : vector<16xi32>
      %add3A_764 = arith.addi %broadcast_in_dim3A_760, %add3A_763 : vector<16xi32>
      %shift_left3A_765 = arith.constant 13 : i32
      %shift_left3A_766 = vector.broadcast %shift_left3A_765 : i32 to vector<16xi32>
      %shift_left3A_767 = arith.shli %add3A_763, %shift_left3A_766 : vector<16xi32>
      %shift_right_logical3A_768 = arith.constant 19 : i32
      %shift_right_logical3A_769 = vector.broadcast %shift_right_logical3A_768 : i32 to vector<16xi32>
      %shift_right_logical3A_770 = arith.shrui %add3A_763, %shift_right_logical3A_769 : vector<16xi32>
      %or3A_771 = arith.ori %shift_left3A_767, %shift_right_logical3A_770 : vector<16xi32>
      %xor3A_772 = arith.xori %or3A_771, %add3A_764 : vector<16xi32>
      %add3A_773 = arith.addi %add3A_764, %xor3A_772 : vector<16xi32>
      %shift_left3A_774 = arith.constant 15 : i32
      %shift_left3A_775 = vector.broadcast %shift_left3A_774 : i32 to vector<16xi32>
      %shift_left3A_776 = arith.shli %xor3A_772, %shift_left3A_775 : vector<16xi32>
      %shift_right_logical3A_777 = arith.constant 17 : i32
      %shift_right_logical3A_778 = vector.broadcast %shift_right_logical3A_777 : i32 to vector<16xi32>
      %shift_right_logical3A_779 = arith.shrui %xor3A_772, %shift_right_logical3A_778 : vector<16xi32>
      %or3A_780 = arith.ori %shift_left3A_776, %shift_right_logical3A_779 : vector<16xi32>
      %xor3A_781 = arith.xori %or3A_780, %add3A_773 : vector<16xi32>
      %add3A_782 = arith.addi %add3A_773, %xor3A_781 : vector<16xi32>
      %shift_left3A_783 = arith.constant 26 : i32
      %shift_left3A_784 = vector.broadcast %shift_left3A_783 : i32 to vector<16xi32>
      %shift_left3A_785 = arith.shli %xor3A_781, %shift_left3A_784 : vector<16xi32>
      %shift_right_logical3A_786 = arith.constant 6 : i32
      %shift_right_logical3A_787 = vector.broadcast %shift_right_logical3A_786 : i32 to vector<16xi32>
      %shift_right_logical3A_788 = arith.shrui %xor3A_781, %shift_right_logical3A_787 : vector<16xi32>
      %or3A_789 = arith.ori %shift_left3A_785, %shift_right_logical3A_788 : vector<16xi32>
      %xor3A_790 = arith.xori %or3A_789, %add3A_782 : vector<16xi32>
      %add3A_791 = arith.addi %add3A_782, %xor3A_790 : vector<16xi32>
      %shift_left3A_792 = arith.constant 6 : i32
      %shift_left3A_793 = vector.broadcast %shift_left3A_792 : i32 to vector<16xi32>
      %shift_left3A_794 = arith.shli %xor3A_790, %shift_left3A_793 : vector<16xi32>
      %shift_right_logical3A_795 = arith.constant 26 : i32
      %shift_right_logical3A_796 = vector.broadcast %shift_right_logical3A_795 : i32 to vector<16xi32>
      %shift_right_logical3A_797 = arith.shrui %xor3A_790, %shift_right_logical3A_796 : vector<16xi32>
      %or3A_798 = arith.ori %shift_left3A_794, %shift_right_logical3A_797 : vector<16xi32>
      %xor3A_799 = arith.xori %or3A_798, %add3A_791 : vector<16xi32>
      %add3A_800 = arith.constant 42 : i32
      %add3A_801 = vector.broadcast %add3A_800 : i32 to vector<16xi32>
      %add3A_802 = arith.addi %add3A_791, %add3A_801 : vector<16xi32>
      %add3A_803 = arith.constant 466689009 : i32
      %add3A_804 = vector.broadcast %add3A_803 : i32 to vector<16xi32>
      %add3A_805 = arith.addi %xor3A_799, %add3A_804 : vector<16xi32>
      %add3A_806 = arith.addi %add3A_802, %add3A_805 : vector<16xi32>
      %shift_left3A_807 = arith.constant 17 : i32
      %shift_left3A_808 = vector.broadcast %shift_left3A_807 : i32 to vector<16xi32>
      %shift_left3A_809 = arith.shli %add3A_805, %shift_left3A_808 : vector<16xi32>
      %shift_right_logical3A_810 = arith.constant 15 : i32
      %shift_right_logical3A_811 = vector.broadcast %shift_right_logical3A_810 : i32 to vector<16xi32>
      %shift_right_logical3A_812 = arith.shrui %add3A_805, %shift_right_logical3A_811 : vector<16xi32>
      %or3A_813 = arith.ori %shift_left3A_809, %shift_right_logical3A_812 : vector<16xi32>
      %xor3A_814 = arith.xori %or3A_813, %add3A_806 : vector<16xi32>
      %add3A_815 = arith.addi %add3A_806, %xor3A_814 : vector<16xi32>
      %shift_left3A_816 = arith.constant 29 : i32
      %shift_left3A_817 = vector.broadcast %shift_left3A_816 : i32 to vector<16xi32>
      %shift_left3A_818 = arith.shli %xor3A_814, %shift_left3A_817 : vector<16xi32>
      %shift_right_logical3A_819 = arith.constant 3 : i32
      %shift_right_logical3A_820 = vector.broadcast %shift_right_logical3A_819 : i32 to vector<16xi32>
      %shift_right_logical3A_821 = arith.shrui %xor3A_814, %shift_right_logical3A_820 : vector<16xi32>
      %or3A_822 = arith.ori %shift_left3A_818, %shift_right_logical3A_821 : vector<16xi32>
      %xor3A_823 = arith.xori %or3A_822, %add3A_815 : vector<16xi32>
      %add3A_824 = arith.addi %add3A_815, %xor3A_823 : vector<16xi32>
      %shift_left3A_825 = arith.constant 16 : i32
      %shift_left3A_826 = vector.broadcast %shift_left3A_825 : i32 to vector<16xi32>
      %shift_left3A_827 = arith.shli %xor3A_823, %shift_left3A_826 : vector<16xi32>
      %shift_right_logical3A_828 = arith.constant 16 : i32
      %shift_right_logical3A_829 = vector.broadcast %shift_right_logical3A_828 : i32 to vector<16xi32>
      %shift_right_logical3A_830 = arith.shrui %xor3A_823, %shift_right_logical3A_829 : vector<16xi32>
      %or3A_831 = arith.ori %shift_left3A_827, %shift_right_logical3A_830 : vector<16xi32>
      %xor3A_832 = arith.xori %or3A_831, %add3A_824 : vector<16xi32>
      %add3A_833 = arith.addi %add3A_824, %xor3A_832 : vector<16xi32>
      %shift_left3A_834 = arith.constant 24 : i32
      %shift_left3A_835 = vector.broadcast %shift_left3A_834 : i32 to vector<16xi32>
      %shift_left3A_836 = arith.shli %xor3A_832, %shift_left3A_835 : vector<16xi32>
      %shift_right_logical3A_837 = arith.constant 8 : i32
      %shift_right_logical3A_838 = vector.broadcast %shift_right_logical3A_837 : i32 to vector<16xi32>
      %shift_right_logical3A_839 = arith.shrui %xor3A_832, %shift_right_logical3A_838 : vector<16xi32>
      %or3A_840 = arith.ori %shift_left3A_836, %shift_right_logical3A_839 : vector<16xi32>
      %xor3A_841 = arith.xori %or3A_840, %add3A_833 : vector<16xi32>
      %add3A_842 = arith.constant 466689008 : i32
      %add3A_843 = vector.broadcast %add3A_842 : i32 to vector<16xi32>
      %add3A_844 = arith.addi %add3A_833, %add3A_843 : vector<16xi32>
      %add3A_845 = arith.constant 2 : i32
      %add3A_846 = vector.broadcast %add3A_845 : i32 to vector<16xi32>
      %add3A_847 = arith.addi %xor3A_841, %add3A_846 : vector<16xi32>
      %add3A_848 = arith.addi %add3A_844, %add3A_847 : vector<16xi32>
      %shift_left3A_849 = arith.constant 13 : i32
      %shift_left3A_850 = vector.broadcast %shift_left3A_849 : i32 to vector<16xi32>
      %shift_left3A_851 = arith.shli %add3A_847, %shift_left3A_850 : vector<16xi32>
      %shift_right_logical3A_852 = arith.constant 19 : i32
      %shift_right_logical3A_853 = vector.broadcast %shift_right_logical3A_852 : i32 to vector<16xi32>
      %shift_right_logical3A_854 = arith.shrui %add3A_847, %shift_right_logical3A_853 : vector<16xi32>
      %or3A_855 = arith.ori %shift_left3A_851, %shift_right_logical3A_854 : vector<16xi32>
      %xor3A_856 = arith.xori %or3A_855, %add3A_848 : vector<16xi32>
      %add3A_857 = arith.addi %add3A_848, %xor3A_856 : vector<16xi32>
      %shift_left3A_858 = arith.constant 15 : i32
      %shift_left3A_859 = vector.broadcast %shift_left3A_858 : i32 to vector<16xi32>
      %shift_left3A_860 = arith.shli %xor3A_856, %shift_left3A_859 : vector<16xi32>
      %shift_right_logical3A_861 = arith.constant 17 : i32
      %shift_right_logical3A_862 = vector.broadcast %shift_right_logical3A_861 : i32 to vector<16xi32>
      %shift_right_logical3A_863 = arith.shrui %xor3A_856, %shift_right_logical3A_862 : vector<16xi32>
      %or3A_864 = arith.ori %shift_left3A_860, %shift_right_logical3A_863 : vector<16xi32>
      %xor3A_865 = arith.xori %or3A_864, %add3A_857 : vector<16xi32>
      %add3A_866 = arith.addi %add3A_857, %xor3A_865 : vector<16xi32>
      %shift_left3A_867 = arith.constant 26 : i32
      %shift_left3A_868 = vector.broadcast %shift_left3A_867 : i32 to vector<16xi32>
      %shift_left3A_869 = arith.shli %xor3A_865, %shift_left3A_868 : vector<16xi32>
      %shift_right_logical3A_870 = arith.constant 6 : i32
      %shift_right_logical3A_871 = vector.broadcast %shift_right_logical3A_870 : i32 to vector<16xi32>
      %shift_right_logical3A_872 = arith.shrui %xor3A_865, %shift_right_logical3A_871 : vector<16xi32>
      %or3A_873 = arith.ori %shift_left3A_869, %shift_right_logical3A_872 : vector<16xi32>
      %xor3A_874 = arith.xori %or3A_873, %add3A_866 : vector<16xi32>
      %add3A_875 = arith.addi %add3A_866, %xor3A_874 : vector<16xi32>
      %shift_left3A_876 = arith.constant 6 : i32
      %shift_left3A_877 = vector.broadcast %shift_left3A_876 : i32 to vector<16xi32>
      %shift_left3A_878 = arith.shli %xor3A_874, %shift_left3A_877 : vector<16xi32>
      %shift_right_logical3A_879 = arith.constant 26 : i32
      %shift_right_logical3A_880 = vector.broadcast %shift_right_logical3A_879 : i32 to vector<16xi32>
      %shift_right_logical3A_881 = arith.shrui %xor3A_874, %shift_right_logical3A_880 : vector<16xi32>
      %or3A_882 = arith.ori %shift_left3A_878, %shift_right_logical3A_881 : vector<16xi32>
      %xor3A_883 = arith.xori %or3A_882, %add3A_875 : vector<16xi32>
      %add3A_884 = arith.constant 0 : i32
      %add3A_885 = vector.broadcast %add3A_884 : i32 to vector<16xi32>
      %add3A_886 = arith.addi %add3A_875, %add3A_885 : vector<16xi32>
      %add3A_887 = arith.constant 45 : i32
      %add3A_888 = vector.broadcast %add3A_887 : i32 to vector<16xi32>
      %add3A_889 = arith.addi %xor3A_883, %add3A_888 : vector<16xi32>
      %add3A_890 = arith.addi %add3A_886, %add3A_889 : vector<16xi32>
      %shift_left3A_891 = arith.constant 17 : i32
      %shift_left3A_892 = vector.broadcast %shift_left3A_891 : i32 to vector<16xi32>
      %shift_left3A_893 = arith.shli %add3A_889, %shift_left3A_892 : vector<16xi32>
      %shift_right_logical3A_894 = arith.constant 15 : i32
      %shift_right_logical3A_895 = vector.broadcast %shift_right_logical3A_894 : i32 to vector<16xi32>
      %shift_right_logical3A_896 = arith.shrui %add3A_889, %shift_right_logical3A_895 : vector<16xi32>
      %or3A_897 = arith.ori %shift_left3A_893, %shift_right_logical3A_896 : vector<16xi32>
      %xor3A_898 = arith.xori %or3A_897, %add3A_890 : vector<16xi32>
      %add3A_899 = arith.addi %add3A_890, %xor3A_898 : vector<16xi32>
      %shift_left3A_900 = arith.constant 29 : i32
      %shift_left3A_901 = vector.broadcast %shift_left3A_900 : i32 to vector<16xi32>
      %shift_left3A_902 = arith.shli %xor3A_898, %shift_left3A_901 : vector<16xi32>
      %shift_right_logical3A_903 = arith.constant 3 : i32
      %shift_right_logical3A_904 = vector.broadcast %shift_right_logical3A_903 : i32 to vector<16xi32>
      %shift_right_logical3A_905 = arith.shrui %xor3A_898, %shift_right_logical3A_904 : vector<16xi32>
      %or3A_906 = arith.ori %shift_left3A_902, %shift_right_logical3A_905 : vector<16xi32>
      %xor3A_907 = arith.xori %or3A_906, %add3A_899 : vector<16xi32>
      %add3A_908 = arith.addi %add3A_899, %xor3A_907 : vector<16xi32>
      %shift_left3A_909 = arith.constant 16 : i32
      %shift_left3A_910 = vector.broadcast %shift_left3A_909 : i32 to vector<16xi32>
      %shift_left3A_911 = arith.shli %xor3A_907, %shift_left3A_910 : vector<16xi32>
      %shift_right_logical3A_912 = arith.constant 16 : i32
      %shift_right_logical3A_913 = vector.broadcast %shift_right_logical3A_912 : i32 to vector<16xi32>
      %shift_right_logical3A_914 = arith.shrui %xor3A_907, %shift_right_logical3A_913 : vector<16xi32>
      %or3A_915 = arith.ori %shift_left3A_911, %shift_right_logical3A_914 : vector<16xi32>
      %xor3A_916 = arith.xori %or3A_915, %add3A_908 : vector<16xi32>
      %add3A_917 = arith.addi %add3A_908, %xor3A_916 : vector<16xi32>
      %shift_left3A_918 = arith.constant 24 : i32
      %shift_left3A_919 = vector.broadcast %shift_left3A_918 : i32 to vector<16xi32>
      %shift_left3A_920 = arith.shli %xor3A_916, %shift_left3A_919 : vector<16xi32>
      %shift_right_logical3A_921 = arith.constant 8 : i32
      %shift_right_logical3A_922 = vector.broadcast %shift_right_logical3A_921 : i32 to vector<16xi32>
      %shift_right_logical3A_923 = arith.shrui %xor3A_916, %shift_right_logical3A_922 : vector<16xi32>
      %or3A_924 = arith.ori %shift_left3A_920, %shift_right_logical3A_923 : vector<16xi32>
      %xor3A_925 = arith.xori %or3A_924, %add3A_917 : vector<16xi32>
      %add3A_926 = arith.constant 42 : i32
      %add3A_927 = vector.broadcast %add3A_926 : i32 to vector<16xi32>
      %add3A_928 = arith.addi %add3A_917, %add3A_927 : vector<16xi32>
      %add3A_929 = arith.constant 466689012 : i32
      %add3A_930 = vector.broadcast %add3A_929 : i32 to vector<16xi32>
      %add3A_931 = arith.addi %xor3A_925, %add3A_930 : vector<16xi32>
      %add3A_932 = arith.addi %add3A_928, %add3A_931 : vector<16xi32>
      %shift_left3A_933 = arith.constant 13 : i32
      %shift_left3A_934 = vector.broadcast %shift_left3A_933 : i32 to vector<16xi32>
      %shift_left3A_935 = arith.shli %add3A_931, %shift_left3A_934 : vector<16xi32>
      %shift_right_logical3A_936 = arith.constant 19 : i32
      %shift_right_logical3A_937 = vector.broadcast %shift_right_logical3A_936 : i32 to vector<16xi32>
      %shift_right_logical3A_938 = arith.shrui %add3A_931, %shift_right_logical3A_937 : vector<16xi32>
      %or3A_939 = arith.ori %shift_left3A_935, %shift_right_logical3A_938 : vector<16xi32>
      %xor3A_940 = arith.xori %or3A_939, %add3A_932 : vector<16xi32>
      %add3A_941 = arith.addi %add3A_932, %xor3A_940 : vector<16xi32>
      %shift_left3A_942 = arith.constant 15 : i32
      %shift_left3A_943 = vector.broadcast %shift_left3A_942 : i32 to vector<16xi32>
      %shift_left3A_944 = arith.shli %xor3A_940, %shift_left3A_943 : vector<16xi32>
      %shift_right_logical3A_945 = arith.constant 17 : i32
      %shift_right_logical3A_946 = vector.broadcast %shift_right_logical3A_945 : i32 to vector<16xi32>
      %shift_right_logical3A_947 = arith.shrui %xor3A_940, %shift_right_logical3A_946 : vector<16xi32>
      %or3A_948 = arith.ori %shift_left3A_944, %shift_right_logical3A_947 : vector<16xi32>
      %xor3A_949 = arith.xori %or3A_948, %add3A_941 : vector<16xi32>
      %add3A_950 = arith.addi %add3A_941, %xor3A_949 : vector<16xi32>
      %shift_left3A_951 = arith.constant 26 : i32
      %shift_left3A_952 = vector.broadcast %shift_left3A_951 : i32 to vector<16xi32>
      %shift_left3A_953 = arith.shli %xor3A_949, %shift_left3A_952 : vector<16xi32>
      %shift_right_logical3A_954 = arith.constant 6 : i32
      %shift_right_logical3A_955 = vector.broadcast %shift_right_logical3A_954 : i32 to vector<16xi32>
      %shift_right_logical3A_956 = arith.shrui %xor3A_949, %shift_right_logical3A_955 : vector<16xi32>
      %or3A_957 = arith.ori %shift_left3A_953, %shift_right_logical3A_956 : vector<16xi32>
      %xor3A_958 = arith.xori %or3A_957, %add3A_950 : vector<16xi32>
      %add3A_959 = arith.addi %add3A_950, %xor3A_958 : vector<16xi32>
      %shift_left3A_960 = arith.constant 6 : i32
      %shift_left3A_961 = vector.broadcast %shift_left3A_960 : i32 to vector<16xi32>
      %shift_left3A_962 = arith.shli %xor3A_958, %shift_left3A_961 : vector<16xi32>
      %shift_right_logical3A_963 = arith.constant 26 : i32
      %shift_right_logical3A_964 = vector.broadcast %shift_right_logical3A_963 : i32 to vector<16xi32>
      %shift_right_logical3A_965 = arith.shrui %xor3A_958, %shift_right_logical3A_964 : vector<16xi32>
      %or3A_966 = arith.ori %shift_left3A_962, %shift_right_logical3A_965 : vector<16xi32>
      %xor3A_967 = arith.xori %or3A_966, %add3A_959 : vector<16xi32>
      %add3A_968 = arith.constant 466689008 : i32
      %add3A_969 = vector.broadcast %add3A_968 : i32 to vector<16xi32>
      %add3A_970 = arith.addi %add3A_959, %add3A_969 : vector<16xi32>
      %add3A_971 = arith.constant 5 : i32
      %add3A_972 = vector.broadcast %add3A_971 : i32 to vector<16xi32>
      %add3A_973 = arith.addi %xor3A_967, %add3A_972 : vector<16xi32>
      %xor3A_974 = arith.xori %add3A_970, %add3A_973 : vector<16xi32>
      %shift_right_logical3A_975 = arith.constant 9 : i32
      %shift_right_logical3A_976 = vector.broadcast %shift_right_logical3A_975 : i32 to vector<16xi32>
      %shift_right_logical3A_977 = arith.shrui %xor3A_974, %shift_right_logical3A_976 : vector<16xi32>
      %lt3A_978 = arith.constant 838861 : i32
      %lt3A_979 = vector.broadcast %lt3A_978 : i32 to vector<16xi32>
      %lt3A_980 = arith.cmpi slt, %shift_right_logical3A_977, %lt3A_979 : vector<16xi32>
      %get3A_981 = arith.index_cast %add3A_755 : i32 to index
      %get3A_982 = tpu.vector_load %arg4[%get3A_981] {strides = array<i32>} : memref<1024xi32, #tpu.memory_space<vmem>>, vector<16xi32>,
      %get3A_983 = vector.shape_cast %get3A_982 : vector<16xi32> to vector<16xi32>
      %jit3A_984 = arith.constant 22 : i32
      %broadcast_in_dim3A_985 = vector.broadcast %jit3A_984 : i32 to vector<16xi32>
      %select_n3A_986 = arith.select %lt3A_980, %broadcast_in_dim3A_985, %get3A_983 : vector<16xi1>, vector<16xi32>
      %swap3A_987 = arith.index_cast %add3A_755 : i32 to index
      %swap3A_988 = tpu.vector_load %arg4[%swap3A_987] {strides = array<i32>} : memref<1024xi32, #tpu.memory_space<vmem>>, vector<16xi32>,
      %swap3A_989 = vector.shape_cast %swap3A_988 : vector<16xi32> to vector<16xi32>
      %swap3A_990 = vector.shape_cast %select_n3A_986 : vector<16xi32> to vector<16xi32>
      tpu.vector_store %arg4[%swap3A_987], %swap3A_990 {strides = array<i32>} : memref<1024xi32, #tpu.memory_space<vmem>>, vector<16xi32>,
    }
    %scan3A_40 = arith.constant 16 : i32
    "tpu.region"() ({
      %run_scoped3A = tpu.sem_alloc : memref<!tpu.dma_semaphore, #tpu.memory_space<semaphore_mem>>
      %dma_start3A = tpu.memref_slice %arg3[%select_n3A, %mul3A_32] : memref<4x8192xi32, #tpu.memory_space<hbm>> -> memref<1x1024xi32, #tpu.memory_space<hbm>>
      %dma_start3A_41 = tpu.memref_squeeze %dma_start3A : memref<1x1024xi32, #tpu.memory_space<hbm>> -> memref<1024xi32, #tpu.memory_space<hbm>>
      %dma_start3A_42 = tpu.memref_slice %arg3[%select_n3A, %mul3A_32] : memref<4x8192xi32, #tpu.memory_space<hbm>> -> memref<1x1024xi32, #tpu.memory_space<hbm>>
      %dma_start3A_43 = tpu.memref_squeeze %dma_start3A_42 : memref<1x1024xi32, #tpu.memory_space<hbm>> -> memref<1024xi32, #tpu.memory_space<hbm>>
      tpu.enqueue_dma source(%arg4 : memref<1024xi32, #tpu.memory_space<vmem>>) target(%dma_start3A_43 : memref<1024xi32, #tpu.memory_space<hbm>>) target_semaphore(%run_scoped3A : memref<!tpu.dma_semaphore, #tpu.memory_space<semaphore_mem>>)
      %dma_wait3A = tpu.memref_slice %arg3[%select_n3A, %mul3A_32] : memref<4x8192xi32, #tpu.memory_space<hbm>> -> memref<1x1024xi32, #tpu.memory_space<hbm>>
      %dma_wait3A_44 = tpu.memref_squeeze %dma_wait3A : memref<1x1024xi32, #tpu.memory_space<hbm>> -> memref<1024xi32, #tpu.memory_space<hbm>>
      %dma_wait3A_45 = tpu.memref_slice %arg3[%select_n3A, %mul3A_32] : memref<4x8192xi32, #tpu.memory_space<hbm>> -> memref<1x1024xi32, #tpu.memory_space<hbm>>
      %dma_wait3A_46 = tpu.memref_squeeze %dma_wait3A_45 : memref<1x1024xi32, #tpu.memory_space<hbm>> -> memref<1024xi32, #tpu.memory_space<hbm>>
      tpu.wait_dma2 semaphore(%run_scoped3A : memref<!tpu.dma_semaphore, #tpu.memory_space<semaphore_mem>>) src(%arg4 : memref<1024xi32, #tpu.memory_space<vmem>>) dst(%dma_wait3A_46 : memref<1024xi32, #tpu.memory_space<hbm>>)
      tpu.yield
    }) : () -> ()
    return
  }
}

</mosaic_0001>

<sc_bundles>
// kernel: kernel.3.cloned.1.call-start
scs
__scs_entry_jumppad:
0x0: {  	(pc) =	sbr.rel $0x88, $3  }
0x1: {  	(tag) =	ssettag $0x0;
	lr =	simm.s32 $0x1  }
0x2: {  	[smem:$0x3FA0] =	sst lr;
	_ =	strace $0xD0000000  }
0x3: {  	_ = 	snop  }
0x4: {  	_ = 	snop  }
0x5: {  	_ = 	snop  }
0x6: {  	_ = 	snop  }
0x7: {  	_ = 	snop  }
__scs_overlays_trampoline_lowered:
0x8: {  	[smem:$0x3FAF] =	sst s0  }
0x9: {  	[smem:$0x3FB0] =	sst s1  }
0xa: {  	[smem:$0x3FB1] =	sst s2  }
0xb: {  	[smem:$0x3FB2] =	sst s3  }
0xc: {  	[smem:$0x3FB3] =	sst s4  }
0xd: {  	[smem:$0x3FB4] =	sst s5  }
0xe: {  	[smem:$0x3FB5] =	sst s6  }
0xf: {  	[smem:$0x3FB6] =	sst s7  }
0x10: {  	[smem:$0x3FB7] =	sst s8  }
0x11: {  	[smem:$0x3FB8] =	sst s9;
	s0 =	simm.s32 @!p0 $0x0  }
0x12: {  	s1 =	sld [smem:$0x3F9E];
	s0 =	simm.s32 @p0 $0x1  }
0x13: {  	[smem:$0x3FB9] =	sst s0;
	s0 =	simm.s32 @!p1 $0x0  }
0x14: {  	s2 =	sld [smem:$0x3F9D];
	s0 =	simm.s32 @p1 $0x1  }
0x15: {  	[smem:$0x3FBA] =	sst s0;
	s0 =	simm.s32 @!p2 $0x0  }
0x16: {  	s3 =	sld [smem:$0x3FDB];
	s0 =	simm.s32 @p2 $0x1  }
0x17: {  	s4 =	simm.s32 $0x1BF5;
	[smem:$0x3FBC] =	sst s0  }
0x18: {  	s0 =	sld [smem:$0x3F9F];
	_ =	swait.ge [sflag:s4], $0x0  }
0x19: {  	s7 =	sld [smem:$0x3FA0]  }
0x1a: {  	s8 =	sadd.s32 $0xFFFFE003, lr  }
0x1b: {  	s9 =	sadd.s32 $0xFFFFFEF7, lr;
	s5 =	simm.s32 $0xFFFFFFFF;
	p2 =	slt.u32 s8, $0xFFFFF086  }
0x1c: {  	p1 =	slt.u32 s9, $0xF7A;
	s5 =	simm.s32 @!p2 $0x0  }
0x1d: {  	s5 =	simm.s32 @p1 $0x1;
	p0 =	seq.s32 s7, s2  }
0x1e: {  	s7 =	smul.u32 @!p0 $0xF7A, s2;
	p2 =	seq.s32 @!p0 s5, $0x0  }
0x1f: {  	s9 =	smul.u32 $0xF7A, s1;
	s8 =	simm.s32 @!p0 $0x1BF5;
	p2 =	por !p2, p0  }
0x20: {  	[sflag:s8] =	ssyncset.s32 @!p0 $0xFFFFF086;
	s6 =	sadd.s32 @!p0 s3, s7;
	s7 =	simm.s32 @!p0 $0x108  }
0x21: {  	s3 =	sadd.s32 s3, s9;
	s6 =	sadd.s32 @!p0 $0x88, s6;
	s7 =	simm.s32 @p2 $0x1082  }
0x22: {  	[simem:s7], [sflag:s8] =	dma.local @!p0 [hbm:s6], $0xF7A  }
0x23: {  	s9 =	sor.u32 $0xD0000000, s2;
	s6 =	simm.s32 $0x108;
	_ =	swait.ge @!p0 [sflag:s8], $0x0  }
0x24: {  	s3 =	sadd.s32 $0x88, s3;
	s6 =	simm.s32 @!p1 $0x1082;
	[sflag:s4] =	ssyncset.s32 $0xFFFFF086  }
0x25: {  	[simem:s6], [sflag:s4] =	dma.local [hbm:s3], $0xF7A  }
0x26: {  	[smem:$0x3FA0] =	sst s1;
	(tag) =	ssettag s2;
	_ =	strace s9  }
0x27: {  	s1 =	sld [smem:$0x3FB0]  }
0x28: {  	s2 =	sld [smem:$0x3FB1]  }
0x29: {  	s4 =	sld [smem:$0x3FB3]  }
0x2a: {  	p0 =	seq.s32 s5, $0x0;
	s5 =	sld [smem:$0x3FB4]  }
0x2b: {  	s6 =	sld [smem:$0x3FB5]  }
0x2c: {  	s7 =	sld [smem:$0x3FB6]  }
0x2d: {  	s3 =	simm.s32 $0x108;
	s8 =	sld [smem:$0x3FB7]  }
0x2e: {  	s3 =	simm.s32 @!p0 $0x1082;
	s9 =	sld [smem:$0x3FB8]  }
0x2f: {  	lr =	sadd.s32 s0, s3;
	s0 =	sld [smem:$0x3FAF]  }
0x30: {  	s3 =	sld [smem:$0x3FB2]  }
0x31: {  	[smem:$0x3FBB] =	sst s10  }
0x32: {  	s10 =	sld [smem:$0x3FB9];
	_ =	sdelay $0x3  }
0x33: {  	p0 =	seq.s32 s10, $0x1;
	s10 =	sld [smem:$0x3FBB];
	_ =	sdelay $0x3  }
0x34: {  	[smem:$0x3FBB] =	sst s10  }
0x35: {  	s10 =	sld [smem:$0x3FBA];
	_ =	sdelay $0x3  }
0x36: {  	p1 =	seq.s32 s10, $0x1;
	s10 =	sld [smem:$0x3FBB];
	_ =	sdelay $0x3  }
0x37: {  	[smem:$0x3FBB] =	sst s10  }
0x38: {  	s10 =	sld [smem:$0x3FBC]  }
0x39: {  	_ = 	snop;
	(pc) =	sbr.ind lr, $3  }
0x3a: {  	_ = 	snop  }
0x3b: {  	_ = 	snop  }
0x3c: {  	p2 =	seq.s32 s10, $0x1;
	s10 =	sld [smem:$0x3FBB]  }
0x3d: {  	_ =	shalt  }
0x3e: {  	_ =	shalt  }
0x3f: {  	_ =	shalt  }
0x40: {  	_ =	shalt  }
0x41: {  	_ =	shalt  }
0x42: {  	_ =	shalt  }
0x43: {  	_ =	shalt  }
0x44: {  	_ =	shalt  }
0x45: {  	_ =	shalt  }
0x46: {  	_ =	shalt  }
0x47: {  	_ =	shalt  }
0x48: {  	_ =	shalt  }
0x49: {  	_ =	shalt  }
0x4a: {  	_ =	shalt  }
0x4b: {  	_ =	shalt  }
0x4c: {  	_ =	shalt  }
0x4d: {  	_ =	shalt  }
0x4e: {  	_ =	shalt  }
0x4f: {  	_ =	shalt  }
0x50: {  	_ =	shalt  }
0x51: {  	_ =	shalt  }
0x52: {  	_ =	shalt  }
0x53: {  	_ =	shalt  }
0x54: {  	_ =	shalt  }
0x55: {  	_ =	shalt  }
0x56: {  	_ =	shalt  }
0x57: {  	_ =	shalt  }
0x58: {  	_ =	shalt  }
0x59: {  	_ =	shalt  }
0x5a: {  	_ =	shalt  }
0x5b: {  	_ =	shalt  }
0x5c: {  	_ =	shalt  }
0x5d: {  	_ =	shalt  }
0x5e: {  	_ =	shalt  }
0x5f: {  	_ =	shalt  }
0x60: {  	_ =	shalt  }
0x61: {  	_ =	shalt  }
0x62: {  	_ =	shalt  }
0x63: {  	_ =	shalt  }
0x64: {  	_ =	shalt  }
0x65: {  	_ =	shalt  }
0x66: {  	_ =	shalt  }
0x67: {  	_ =	shalt  }
0x68: {  	_ =	shalt  }
0x69: {  	_ =	shalt  }
0x6a: {  	_ =	shalt  }
0x6b: {  	_ =	shalt  }
0x6c: {  	_ =	shalt  }
0x6d: {  	_ =	shalt  }
0x6e: {  	_ =	shalt  }
0x6f: {  	_ =	shalt  }
0x70: {  	_ =	shalt  }
0x71: {  	_ =	shalt  }
0x72: {  	_ =	shalt  }
0x73: {  	_ =	shalt  }
0x74: {  	_ =	shalt  }
0x75: {  	_ =	shalt  }
0x76: {  	_ =	shalt  }
0x77: {  	_ =	shalt  }
0x78: {  	_ =	shalt  }
0x79: {  	_ =	shalt  }
0x7a: {  	_ =	shalt  }
0x7b: {  	_ =	shalt  }
0x7c: {  	_ =	shalt  }
0x7d: {  	_ =	shalt  }
0x7e: {  	_ =	shalt  }
0x7f: {  	_ =	shalt  }
0x80: {  	_ =	shalt  }
0x81: {  	_ =	shalt  }
0x82: {  	_ =	shalt  }
0x83: {  	_ =	shalt  }
0x84: {  	_ =	shalt  }
0x85: {  	_ =	shalt  }
0x86: {  	_ =	shalt  }
0x87: {  	_ =	shalt  }
.Lfunc_end0:
.L_simem_size_0:
called_computation_lowered:
.L_overlay_start_0:
0x88: {  	s2 =	sld [smem:$0x3FD9]  }
0x89: {  	s3 =	sld [smem:$0x3FFE];
	_ =	sdelay $0x1  }
0x8a: {  	s1 =	srdreg.scid  }
0x8b: {  	s0 =	sand.u32 $0x1, s1  }
0x8c: {  	s18 =	sshll.u32 s0, $0xA;
	s2 =	sadd.s32 s3, s2  }
0x8d: {  	s2 =	sadd.s32 s2, s18  }
0x8e: {  	[smem:$0x3FC7] =	sst s2  }
0x8f: {  	_ = 	snop  }
0x90: {  	s2 =	sld [smem:$0x3FC9]  }
0x91: {  	s19 =	sld [smem:$0x3FD0];
	(tm) =	ssettm $0x1  }
0x92: {  	s4 =	sld [smem:$0x3FFB];
	_ =	sdelay $0x3  }
0x93: {  	_ =	strace s4  }
0x94: {  	s4 =	sld [smem:$0x3FFC];
	_ =	sdelay $0x3  }
0x95: {  	_ =	strace s4  }
0x96: {  	s4 =	sld [smem:$0x3FFD];
	_ =	sdelay $0x3  }
0x97: {  	_ =	strace s4  }
0x98: {  	_ =	strace $0x8FFFFFFF  }
0x99: {  	s20 =	sld [smem:$0x3FDB];
	_ =	sdelay $0x1  }
0x9a: {  	s5 =	simm.s32 $_scs_section_size  }
0x9b: {  	s6 =	simm.s32 $_size__tile_overlayer_lowered;
	s7 =	simm.s32 $_tile_overlayer_lowered  }
0x9c: {  	s23 =	simm.s32 $0x1BFF;
	s22 =	sshll.u32 s7, $0x1;
	s4 =	sadd.s32 s5, s20  }
0x9d: {  	s8 =	simm.s32 $0x0;
	s21 =	sshll.u32 s6, $0x1;
	s6 =	sadd.s32 s22, s4  }
0x9e: {  	[timem:s8], [sflag:s23] =	dma.local [hbm:s6], s21  }
0x9f: {  	_ =	swait.ge [sflag:s23], s21  }
0xa0: {  	s5 =	ssub.s32 $0x0, s21;
	[sflag:s23] =	ssyncset.done $0x0  }
0xa1: {  	[sflag:s23] =	ssyncadd.s32 s5;
	_ =	sdelay $0x1  }
0xa2: {  	s24 =	simm.s32 $0x1B8B  }
0xa3: {  	_ =	swait.ge [sflag:s24], $0x1  }
0xa4: {  	[sflag:s24] =	ssyncset.done $0x0  }
0xa5: {  	s25 =	simm.s32 $0x1B8E;
	[sflag:s24] =	ssyncadd.s32 $0xFFFFFFFF  }
0xa6: {  	s26 =	simm.s32 $execute0_lowered;
	[smem:$0x3FD2] =	sst s25  }
0xa7: {  	s5 =	sshll.u32 s26, $0x1;
	_ =	strace $0x80000046;
	[dreg:$0x1] =	wrdreg $0xFFFFFFFF  }
0xa8: {  	s28 =	simm.s32 $_size_execute0_lowered;
	s4 =	sadd.s32 s4, s5;
	[dreg:$0x0] =	wrdreg $0x0  }
0xa9: {  	s5 =	sshll.u32 s28, $0x1;
	[dreg:$0x2] =	wrdreg s4  }
0xaa: {  	[dreg:$0x3] =	wrdreg s5  }
0xab: {  	[dreg:$0x4] =	wrdreg $0xC0  }
0xac: {  	_ =	task [dreg:s8], $0x5FFFF  }
0xad: {  	[dreg:$0x1] =	wrdreg $0xFFFFFFFF  }
0xae: {  	[dreg:$0x0] =	wrdreg $0x60  }
0xaf: {  	[dreg:$0x2] =	wrdreg s2  }
0xb0: {  	[dreg:$0x3] =	wrdreg s19  }
0xb1: {  	[dreg:$0x4] =	wrdreg $0x9  }
0xb2: {  	_ =	task.clear_ibuf [dreg:s8], $0x5FFFF;
	_ =	strace $0x90000046  }
0xb3: {  	s29 =	simm.s32 $0x9;
	_ =	strace $0x80000048  }
0xb4: {  	_ =	swait.ge [sflag:s29], $0x1  }
0xb5: {  	[sflag:s29] =	ssyncadd.s32 $0xFFFFFFFF  }
0xb6: {  	_ =	strace $0x90000048  }
0xb7: {  	_ =	sfence  }
0xb8: {  	s30 =	sld [smem:$0x0];
	_ =	sdelay $0x2  }
0xb9: {  	s31 =	sshll.u32 s1, $0xD;
	s1 =	sshrl.u32 s1, $0x2  }
0xba: {  	s3 =	sand.u32 $0x4000, s31;
	s1 =	sadd.s32 s1, s30  }
0xbb: {  	s0 =	sor.u32 s3, s0;
	s1 =	sshll.u32 s1, $0x11  }
0xbc: {  	s0 =	sor.u32 s1, s0  }
0xbd: {  	s0 =	sadd.s32 $0x8F2B, s0  }
0xbe: {  	[sflag:s0] =	ssyncadd.remote.s32 $0x1  }
0xbf: {  	_ =	sfence.sel $0xFFFF  }
0xc0: {  	[dreg:$0x0] =	wrdreg $0xFFFFFFFF;
	(pc) =	sbr.abs _section_cstart, $3  }
0xc1: {  	[dreg:$0x1] =	wrdreg $0xFFFFFFFF  }
0xc2: {  	_ =	task.clear_ibuf [dreg:s8], $0x2FFFF;
	_ =	strace $0x9FFFFFFF  }
0xc3: {  	(tm) =	ssettm $0x7FFFFFFF  }
tec
execute0_lowered:
.L_overlay_start_1:
0x0: {  	(tag) =	ssettag $0x1  }
0x1: {  	s3 =	rddreg [dreg:$0x0]  }
0x2: {  	s4 =	rddreg [dreg:$0x1]  }
0x3: {  	s0 =	rddreg [dreg:$0x2];
	s2 =	simm.s32 $0x0;
	s1 =	stileid.u32  }
0x4: {  	s5 =	srdreg.scid;
	[smem:$0x7FF] =	sst s2;
	s6 =	sshll.u32 s1, $0x1  }
0x5: {  	s5 =	sand.u32 $0x1, s5;
	s8 =	sshrl.u32 s1, $0x2;
	s29 =	sand.u32 $0x3, s1  }
0x6: {  	_ =	strace $0x80000047;
	s6 =	sand.u32 $0x6, s6;
	s7 =	ssub.s32 $0x2, s5  }
0x7: {  	s10 =	sshll.u32 s8, $0x4;
	s8 =	sshll.u32 s8, $0xD;
	s6 =	sor.u32 s5, s6  }
0x8: {  	s31 =	sshll.u32 s5, $0xA;
	s9 =	sshrl.u32 s7, $0x1;
	s6 =	sshll.u32 s6, $0x9  }
0x9: {  	s7 =	ssub.s32 s7, s9;
	s9 =	sshll.u32 s29, $0xB;
	s6 =	sor.u32 s10, s6  }
0xa: {  	s30 =	sor.u32 s9, s8;
	s5 =	smax.u32 s7, $0x1;
	s7 =	simm.s32 $0x80  }
0xb: {  	v0 =	vlaneseq.u32;
	s8 =	simm.s32 $0x200;
	s9 =	simm.s32 $0x1;
	s10 =	simm.s32 $0x0  }
0xc: {  	v0 =	vadd.s32 $0x2A, v0;
	s3 =	sadd.s32 s3, s6;
	s4 =	sadd.s32 s4, s6;
	s6 =	sor.u32 s31, s30  }
.LBB2_1:
0xd: {  	s11 =	sadd.s32 $0x0, s6  }
0xe: {  	v1 =	vmov s11  }
0xf: {  	v2 =	vor.u32 s11, v0;
	s12 =	sadd.s32 $0x10, s11;
	s26 =	sadd.s32 $0x20, s11;
	s11 =	sadd.s32 $0x30, s11;
	v3 =	vshrl.u32 v1, $0x13  }
0x10: {  	v4 =	vshll.u32 v2, $0xD;
	v1 =	vadd.s32 s12, v0;
	v5 =	vadd.s32 s11, v0  }
0x11: {  	v3 =	vor.u32 v3, v4;
	v4 =	vadd.s32 s26, v0;
	v8 =	vshrl.u32 v5, $0x13  }
0x12: {  	v10 =	vshll.u32 v1, $0xD;
	v6 =	vshrl.u32 v4, $0x13;
	v7 =	vshll.u32 v4, $0xD  }
0x13: {  	v3 =	vxor.u32 v2, v3;
	v6 =	vor.u32 v6, v7;
	v7 =	vshll.u32 v5, $0xD  }
0x14: {  	v2 =	vadd.s32 v2, v3;
	v9 =	vshrl.u32 v3, $0x11;
	v3 =	vshll.u32 v3, $0xF  }
0x15: {  	v7 =	vor.u32 v8, v7;
	v6 =	vxor.u32 v4, v6;
	v3 =	vor.u32 v9, v3  }
0x16: {  	v7 =	vxor.u32 v5, v7;
	v4 =	vadd.s32 v4, v6;
	v8 =	vshrl.u32 v6, $0x11  }
0x17: {  	v6 =	vshll.u32 v6, $0xF;
	v3 =	vxor.u32 v2, v3;
	v5 =	vadd.s32 v5, v7  }
0x18: {  	v9 =	vshrl.u32 v7, $0x11;
	v6 =	vor.u32 v8, v6;
	v7 =	vshll.u32 v7, $0xF  }
0x19: {  	v2 =	vadd.s32 v2, v3;
	v8 =	vshrl.u32 v3, $0x6;
	v3 =	vshll.u32 v3, $0x1A  }
0x1a: {  	v7 =	vor.u32 v9, v7;
	v6 =	vxor.u32 v4, v6;
	v3 =	vor.u32 v8, v3  }
0x1b: {  	v7 =	vxor.u32 v5, v7;
	v4 =	vadd.s32 v4, v6;
	v8 =	vshrl.u32 v6, $0x6  }
0x1c: {  	v6 =	vshll.u32 v6, $0x1A;
	v3 =	vxor.u32 v2, v3;
	v5 =	vadd.s32 v5, v7  }
0x1d: {  	v9 =	vshrl.u32 v7, $0x6;
	v6 =	vor.u32 v8, v6;
	v7 =	vshll.u32 v7, $0x1A  }
0x1e: {  	v2 =	vadd.s32 v2, v3;
	v8 =	vshrl.u32 v3, $0x1A;
	v3 =	vshll.u32 v3, $0x6  }
0x1f: {  	v7 =	vor.u32 v9, v7;
	v6 =	vxor.u32 v4, v6;
	v3 =	vor.u32 v8, v3  }
0x20: {  	v7 =	vxor.u32 v5, v7;
	v4 =	vadd.s32 v4, v6;
	v8 =	vshrl.u32 v6, $0x1A  }
0x21: {  	v6 =	vshll.u32 v6, $0x6;
	v3 =	vxor.u32 v2, v3;
	v5 =	vadd.s32 v5, v7  }
0x22: {  	v9 =	vshrl.u32 v7, $0x1A;
	v6 =	vor.u32 v8, v6;
	v7 =	vshll.u32 v7, $0x6  }
0x23: {  	v3 =	vadd.s32 $0x1BD11BF1, v3;
	v6 =	vxor.u32 v4, v6;
	v7 =	vor.u32 v9, v7  }
0x24: {  	v2 =	vadd.s32 v3, v2;
	v8 =	vshrl.u32 v3, $0xF;
	v3 =	vshll.u32 v3, $0x11  }
0x25: {  	v7 =	vxor.u32 v5, v7;
	v6 =	vadd.s32 $0x1BD11BF1, v6;
	v2 =	vadd.s32 $0x2A, v2  }
0x26: {  	v3 =	vor.u32 v8, v3;
	v7 =	vadd.s32 $0x1BD11BF1, v7;
	v4 =	vadd.s32 v6, v4  }
0x27: {  	v8 =	vshrl.u32 v6, $0xF;
	v6 =	vshll.u32 v6, $0x11;
	v3 =	vxor.u32 v2, v3  }
0x28: {  	v5 =	vadd.s32 v7, v5;
	v9 =	vshrl.u32 v7, $0xF;
	v7 =	vshll.u32 v7, $0x11  }
0x29: {  	v4 =	vadd.s32 $0x2A, v4;
	v6 =	vor.u32 v8, v6;
	v2 =	vadd.s32 v2, v3  }
0x2a: {  	v8 =	vshrl.u32 v3, $0x3;
	v3 =	vshll.u32 v3, $0x1D;
	v5 =	vadd.s32 $0x2A, v5  }
0x2b: {  	v7 =	vor.u32 v9, v7;
	v6 =	vxor.u32 v4, v6;
	v3 =	vor.u32 v8, v3  }
0x2c: {  	v7 =	vxor.u32 v5, v7;
	v4 =	vadd.s32 v4, v6;
	v8 =	vshrl.u32 v6, $0x3  }
0x2d: {  	v6 =	vshll.u32 v6, $0x1D;
	v3 =	vxor.u32 v2, v3;
	v5 =	vadd.s32 v5, v7  }
0x2e: {  	v9 =	vshrl.u32 v7, $0x3;
	v6 =	vor.u32 v8, v6;
	v7 =	vshll.u32 v7, $0x1D  }
0x2f: {  	v2 =	vadd.s32 v2, v3;
	v8 =	vshrl.u32 v3, $0x10;
	v3 =	vshll.u32 v3, $0x10  }
0x30: {  	v7 =	vor.u32 v9, v7;
	v6 =	vxor.u32 v4, v6;
	v3 =	vor.u32 v8, v3  }
0x31: {  	v7 =	vxor.u32 v5, v7;
	v4 =	vadd.s32 v4, v6;
	v8 =	vshrl.u32 v6, $0x10  }
0x32: {  	v6 =	vshll.u32 v6, $0x10;
	v3 =	vxor.u32 v2, v3;
	v5 =	vadd.s32 v5, v7  }
0x33: {  	v9 =	vshrl.u32 v7, $0x10;
	v6 =	vor.u32 v8, v6;
	v7 =	vshll.u32 v7, $0x10  }
0x34: {  	v2 =	vadd.s32 v2, v3;
	v8 =	vshrl.u32 v3, $0x8;
	v3 =	vshll.u32 v3, $0x18  }
0x35: {  	v7 =	vor.u32 v9, v7;
	v6 =	vxor.u32 v4, v6;
	v3 =	vor.u32 v8, v3  }
0x36: {  	v7 =	vxor.u32 v5, v7;
	v4 =	vadd.s32 v4, v6;
	v8 =	vshrl.u32 v6, $0x8  }
0x37: {  	v6 =	vshll.u32 v6, $0x18;
	v3 =	vxor.u32 v2, v3;
	v5 =	vadd.s32 v5, v7  }
0x38: {  	v9 =	vshrl.u32 v7, $0x8;
	v6 =	vor.u32 v8, v6;
	v7 =	vshll.u32 v7, $0x18  }
0x39: {  	v3 =	vadd.s32 $0x2, v3;
	v6 =	vxor.u32 v4, v6;
	v7 =	vor.u32 v9, v7  }
0x3a: {  	v2 =	vadd.s32 v3, v2;
	v8 =	vshrl.u32 v3, $0x13;
	v3 =	vshll.u32 v3, $0xD  }
0x3b: {  	v7 =	vxor.u32 v5, v7;
	v6 =	vadd.s32 $0x2, v6;
	v2 =	vadd.s32 $0x1BD11BF0, v2  }
0x3c: {  	v3 =	vor.u32 v8, v3;
	v7 =	vadd.s32 $0x2, v7;
	v4 =	vadd.s32 v6, v4  }
0x3d: {  	v8 =	vshrl.u32 v6, $0x13;
	v6 =	vshll.u32 v6, $0xD;
	v3 =	vxor.u32 v2, v3  }
0x3e: {  	v5 =	vadd.s32 v7, v5;
	v9 =	vshrl.u32 v7, $0x13;
	v7 =	vshll.u32 v7, $0xD  }
0x3f: {  	v4 =	vadd.s32 $0x1BD11BF0, v4;
	v6 =	vor.u32 v8, v6;
	v2 =	vadd.s32 v2, v3  }
0x40: {  	v8 =	vshrl.u32 v3, $0x11;
	v3 =	vshll.u32 v3, $0xF;
	v5 =	vadd.s32 $0x1BD11BF0, v5  }
0x41: {  	v7 =	vor.u32 v9, v7;
	v6 =	vxor.u32 v4, v6;
	v3 =	vor.u32 v8, v3  }
0x42: {  	v7 =	vxor.u32 v5, v7;
	v4 =	vadd.s32 v4, v6;
	v8 =	vshrl.u32 v6, $0x11  }
0x43: {  	v6 =	vshll.u32 v6, $0xF;
	v3 =	vxor.u32 v2, v3;
	v5 =	vadd.s32 v5, v7  }
0x44: {  	v9 =	vshrl.u32 v7, $0x11;
	v6 =	vor.u32 v8, v6;
	v7 =	vshll.u32 v7, $0xF  }
0x45: {  	v2 =	vadd.s32 v2, v3;
	v8 =	vshrl.u32 v3, $0x6;
	v3 =	vshll.u32 v3, $0x1A  }
0x46: {  	v7 =	vor.u32 v9, v7;
	v6 =	vxor.u32 v4, v6;
	v3 =	vor.u32 v8, v3  }
0x47: {  	v7 =	vxor.u32 v5, v7;
	v4 =	vadd.s32 v4, v6;
	v8 =	vshrl.u32 v6, $0x6  }
0x48: {  	v6 =	vshll.u32 v6, $0x1A;
	v3 =	vxor.u32 v2, v3;
	v5 =	vadd.s32 v5, v7  }
0x49: {  	v9 =	vshrl.u32 v7, $0x6;
	v6 =	vor.u32 v8, v6;
	v7 =	vshll.u32 v7, $0x1A  }
0x4a: {  	v2 =	vadd.s32 v2, v3;
	v8 =	vshrl.u32 v3, $0x1A;
	v3 =	vshll.u32 v3, $0x6  }
0x4b: {  	v7 =	vor.u32 v9, v7;
	v6 =	vxor.u32 v4, v6;
	v3 =	vor.u32 v8, v3  }
0x4c: {  	v7 =	vxor.u32 v5, v7;
	v4 =	vadd.s32 v4, v6;
	v8 =	vshrl.u32 v6, $0x1A  }
0x4d: {  	v6 =	vshll.u32 v6, $0x6;
	v3 =	vxor.u32 v2, v3;
	v5 =	vadd.s32 v5, v7  }
0x4e: {  	v9 =	vshrl.u32 v7, $0x1A;
	v6 =	vor.u32 v8, v6;
	v7 =	vshll.u32 v7, $0x6  }
0x4f: {  	v3 =	vadd.s32 $0x2D, v3;
	v6 =	vxor.u32 v4, v6;
	v7 =	vor.u32 v9, v7  }
0x50: {  	v2 =	vadd.s32 v2, v3;
	v8 =	vshrl.u32 v3, $0xF;
	v3 =	vshll.u32 v3, $0x11  }
0x51: {  	v7 =	vxor.u32 v5, v7;
	v6 =	vadd.s32 $0x2D, v6;
	v3 =	vor.u32 v8, v3  }
0x52: {  	v7 =	vadd.s32 $0x2D, v7;
	v4 =	vadd.s32 v4, v6;
	v8 =	vshrl.u32 v6, $0xF  }
0x53: {  	v6 =	vshll.u32 v6, $0x11;
	v3 =	vxor.u32 v2, v3;
	v5 =	vadd.s32 v5, v7  }
0x54: {  	v9 =	vshrl.u32 v7, $0xF;
	v6 =	vor.u32 v8, v6;
	v7 =	vshll.u32 v7, $0x11  }
0x55: {  	v2 =	vadd.s32 v2, v3;
	v8 =	vshrl.u32 v3, $0x3;
	v3 =	vshll.u32 v3, $0x1D  }
0x56: {  	v7 =	vor.u32 v9, v7;
	v6 =	vxor.u32 v4, v6;
	v3 =	vor.u32 v8, v3  }
0x57: {  	v7 =	vxor.u32 v5, v7;
	v4 =	vadd.s32 v4, v6;
	v8 =	vshrl.u32 v6, $0x3  }
0x58: {  	v6 =	vshll.u32 v6, $0x1D;
	v3 =	vxor.u32 v2, v3;
	v5 =	vadd.s32 v5, v7  }
0x59: {  	v9 =	vshrl.u32 v7, $0x3;
	v6 =	vor.u32 v8, v6;
	v7 =	vshll.u32 v7, $0x1D  }
0x5a: {  	v2 =	vadd.s32 v2, v3;
	v8 =	vshrl.u32 v3, $0x10;
	v3 =	vshll.u32 v3, $0x10  }
0x5b: {  	v7 =	vor.u32 v9, v7;
	v6 =	vxor.u32 v4, v6;
	v3 =	vor.u32 v8, v3  }
0x5c: {  	v7 =	vxor.u32 v5, v7;
	v4 =	vadd.s32 v4, v6;
	v8 =	vshrl.u32 v6, $0x10  }
0x5d: {  	v6 =	vshll.u32 v6, $0x10;
	v3 =	vxor.u32 v2, v3;
	v5 =	vadd.s32 v5, v7  }
0x5e: {  	v9 =	vshrl.u32 v7, $0x10;
	v6 =	vor.u32 v8, v6;
	v7 =	vshll.u32 v7, $0x10  }
0x5f: {  	v2 =	vadd.s32 v2, v3;
	v8 =	vshrl.u32 v3, $0x8;
	v3 =	vshll.u32 v3, $0x18  }
0x60: {  	v7 =	vor.u32 v9, v7;
	v6 =	vxor.u32 v4, v6;
	v3 =	vor.u32 v8, v3  }
0x61: {  	v7 =	vxor.u32 v5, v7;
	v4 =	vadd.s32 v4, v6;
	v8 =	vshrl.u32 v6, $0x8  }
0x62: {  	v6 =	vshll.u32 v6, $0x18;
	v3 =	vxor.u32 v2, v3;
	v5 =	vadd.s32 v5, v7  }
0x63: {  	v9 =	vshrl.u32 v7, $0x8;
	v6 =	vor.u32 v8, v6;
	v7 =	vshll.u32 v7, $0x18  }
0x64: {  	v3 =	vadd.s32 $0x1BD11BF4, v3;
	v6 =	vxor.u32 v4, v6;
	v7 =	vor.u32 v9, v7  }
0x65: {  	v2 =	vadd.s32 v3, v2;
	v8 =	vshrl.u32 v3, $0x13;
	v3 =	vshll.u32 v3, $0xD  }
0x66: {  	v7 =	vxor.u32 v5, v7;
	v6 =	vadd.s32 $0x1BD11BF4, v6;
	v2 =	vadd.s32 $0x2A, v2  }
0x67: {  	v3 =	vor.u32 v8, v3;
	v7 =	vadd.s32 $0x1BD11BF4, v7;
	v4 =	vadd.s32 v6, v4  }
0x68: {  	v8 =	vshrl.u32 v6, $0x13;
	v6 =	vshll.u32 v6, $0xD;
	v3 =	vxor.u32 v2, v3  }
0x69: {  	v5 =	vadd.s32 v7, v5;
	v9 =	vshrl.u32 v7, $0x13;
	v7 =	vshll.u32 v7, $0xD  }
0x6a: {  	v4 =	vadd.s32 $0x2A, v4;
	v6 =	vor.u32 v8, v6;
	v2 =	vadd.s32 v2, v3  }
0x6b: {  	v8 =	vshrl.u32 v3, $0x11;
	v3 =	vshll.u32 v3, $0xF;
	v5 =	vadd.s32 $0x2A, v5  }
0x6c: {  	v7 =	vor.u32 v9, v7;
	v6 =	vxor.u32 v4, v6;
	v3 =	vor.u32 v8, v3  }
0x6d: {  	v7 =	vxor.u32 v5, v7;
	v4 =	vadd.s32 v4, v6;
	v8 =	vshrl.u32 v6, $0x11  }
0x6e: {  	v6 =	vshll.u32 v6, $0xF;
	v3 =	vxor.u32 v2, v3;
	v5 =	vadd.s32 v5, v7  }
0x6f: {  	v9 =	vshrl.u32 v7, $0x11;
	v6 =	vor.u32 v8, v6;
	v7 =	vshll.u32 v7, $0xF  }
0x70: {  	v2 =	vadd.s32 v2, v3;
	v8 =	vshrl.u32 v1, $0x13;
	v11 =	vshrl.u32 v3, $0x6  }
0x71: {  	v3 =	vshll.u32 v3, $0x1A;
	v7 =	vor.u32 v9, v7;
	v8 =	vor.u32 v8, v10  }
0x72: {  	v6 =	vxor.u32 v4, v6;
	v3 =	vor.u32 v11, v3;
	v8 =	vxor.u32 v1, v8  }
0x73: {  	v7 =	vxor.u32 v5, v7;
	v9 =	vshrl.u32 v8, $0x11;
	v10 =	vshll.u32 v8, $0xF  }
0x74: {  	v4 =	vadd.s32 v4, v6;
	v1 =	vadd.s32 v1, v8;
	v8 =	vor.u32 v9, v10  }
0x75: {  	v3 =	vxor.u32 v2, v3;
	v5 =	vadd.s32 v5, v7;
	v8 =	vxor.u32 v1, v8  }
0x76: {  	v9 =	vshrl.u32 v6, $0x6;
	v10 =	vshrl.u32 v8, $0x6;
	v11 =	vshll.u32 v8, $0x1A  }
0x77: {  	v6 =	vshll.u32 v6, $0x1A;
	v1 =	vadd.s32 v1, v8;
	v8 =	vor.u32 v10, v11  }
0x78: {  	v2 =	vadd.s32 v2, v3;
	v6 =	vor.u32 v9, v6;
	v8 =	vxor.u32 v1, v8  }
0x79: {  	v6 =	vxor.u32 v4, v6;
	v9 =	vshrl.u32 v8, $0x1A;
	v11 =	vshll.u32 v8, $0x6  }
0x7a: {  	v10 =	vshrl.u32 v7, $0x6;
	v1 =	vadd.s32 v1, v8;
	v8 =	vor.u32 v9, v11  }
0x7b: {  	v7 =	vshll.u32 v7, $0x1A;
	v4 =	vadd.s32 v4, v6;
	v8 =	vxor.u32 v1, v8  }
0x7c: {  	v7 =	vor.u32 v10, v7;
	v13 =	vadd.s32 $0x1BD11BF0, v4;
	v8 =	vadd.s32 $0x1BD11BF1, v8  }
0x7d: {  	v1 =	vadd.s32 v8, v1;
	v10 =	vshrl.u32 v8, $0xF;
	v8 =	vshll.u32 v8, $0x11  }
0x7e: {  	v7 =	vxor.u32 v5, v7;
	v1 =	vadd.s32 $0x2A, v1;
	v8 =	vor.u32 v10, v8  }
0x7f: {  	v9 =	vshrl.u32 v3, $0x1A;
	v3 =	vshll.u32 v3, $0x6;
	v8 =	vxor.u32 v1, v8  }
0x80: {  	v5 =	vadd.s32 v5, v7;
	v10 =	vshrl.u32 v8, $0x3;
	v11 =	vshll.u32 v8, $0x1D  }
0x81: {  	v3 =	vor.u32 v9, v3;
	v1 =	vadd.s32 v1, v8;
	v8 =	vor.u32 v10, v11  }
0x82: {  	v9 =	vadd.s32 $0x1BD11BF0, v2;
	v2 =	vxor.u32 v2, v3;
	v8 =	vxor.u32 v1, v8  }
0x83: {  	v2 =	vadd.s32 $0x5, v2;
	v11 =	vshrl.u32 v8, $0x10;
	v12 =	vshll.u32 v8, $0x10  }
0x84: {  	v2 =	vxor.u32 v9, v2;
	v1 =	vadd.s32 v1, v8;
	v8 =	vor.u32 v11, v12  }
0x85: {  	vm0 =	vlt.u32 v2, $0x19999A00;
	v10 =	vshrl.u32 v6, $0x1A;
	v8 =	vxor.u32 v1, v8  }
0x86: {  	[tilespmem:s2], [sflag:$0x1] =	stream.strided.gather [hbm4b:s3+s7], $0x400, s8, s7, $0x38;
	v6 =	vshll.u32 v6, $0x6;
	v3 =	vshrl.u32 v8, $0x8;
	v12 =	vshll.u32 v8, $0x18;
	[tilespmem:$0x400] =	vst v63  }
0x87: {  	_ =	swait.ge [sflag:s9], $0x400;
	v6 =	vor.u32 v10, v6;
	v1 =	vadd.s32 v1, v8;
	v3 =	vor.u32 v3, v12  }
0x88: {  	[sflag:s9] =	ssyncset.done $0x0;
	v11 =	vshrl.u32 v7, $0x1A;
	v7 =	vshll.u32 v7, $0x6;
	v3 =	vxor.u32 v1, v3  }
0x89: {  	s11 =	simm.s32 $0x20;
	[sflag:s9] =	ssyncadd.s32 $0xFFFFFC00;
	v4 =	vxor.u32 v4, v6;
	v6 =	vor.u32 v11, v7;
	v3 =	vadd.s32 $0x2, v3  }
0x8a: {  	v7 =	vld [tilespmem:s11+$0xFFFFFFE0];
	v1 =	vadd.s32 v3, v1;
	v10 =	vshrl.u32 v3, $0x13;
	v3 =	vshll.u32 v3, $0xD  }
0x8b: {  	v4 =	vadd.s32 $0x5, v4;
	v1 =	vadd.s32 $0x1BD11BF0, v1;
	v3 =	vor.u32 v10, v3  }
0x8c: {  	v4 =	vxor.u32 v13, v4;
	v8 =	vadd.s32 $0x1BD11BF0, v5;
	v3 =	vxor.u32 v1, v3  }
0x8d: {  	v5 =	vxor.u32 v5, v6;
	v6 =	vld [tilespmem:s11+$0x0];
	vm11 =	vlt.u32 v4, $0x19999A00;
	v2 =	vshrl.u32 v3, $0x11  }
0x8e: {  	v10 =	vld [tilespmem:s11+$0x10];
	v9 =	vshll.u32 v3, $0xF;
	v1 =	vadd.s32 v1, v3;
	v3 =	vadd.s32 $0x5, v5  }
0x8f: {  	s28 =	sadd.s32 $0x40, s6;
	v5 =	vsel vm0, $0x16, v7;
	v2 =	vor.u32 v2, v9;
	v3 =	vxor.u32 v8, v3  }
0x90: {  	v8 =	vor.u32 s28, v0;
	v2 =	vxor.u32 v1, v2;
	vm12 =	vlt.u32 v3, $0x19999A00  }
0x91: {  	v9 =	vshll.u32 v8, $0xD;
	v4 =	vshrl.u32 v2, $0x6;
	v7 =	vshll.u32 v2, $0x1A  }
0x92: {  	s14 =	sadd.s32 $0x20, s28;
	v1 =	vadd.s32 v1, v2;
	v2 =	vor.u32 v4, v7;
	v7 =	vsel vm11, $0x16, v6  }
0x93: {  	v6 =	vsel vm12, $0x16, v10;
	v10 =	vadd.s32 s14, v0;
	v2 =	vxor.u32 v1, v2  }
0x94: {  	v11 =	vshrl.u32 v10, $0x13;
	v12 =	vshll.u32 v10, $0xD;
	v3 =	vshrl.u32 v2, $0x1A  }
0x95: {  	v4 =	vshll.u32 v2, $0x6;
	v2 =	vadd.s32 v1, v2;
	v11 =	vor.u32 v11, v12  }
0x96: {  	s13 =	sadd.s32 $0x10, s28;
	v1 =	vor.u32 v3, v4;
	v4 =	vmov s28;
	v11 =	vxor.u32 v10, v11  }
0x97: {  	s12 =	sadd.s32 $0x30, s28;
	v3 =	vxor.u32 v2, v1;
	v1 =	vshrl.u32 v4, $0x13;
	v4 =	vadd.s32 s13, v0  }
0x98: {  	v10 =	vadd.s32 v10, v11;
	v1 =	vor.u32 v1, v9;
	v9 =	vadd.s32 s12, v0  }
0x99: {  	v13 =	vshrl.u32 v9, $0x13;
	v1 =	vxor.u32 v8, v1;
	v12 =	vshll.u32 v9, $0xD  }
0x9a: {  	v8 =	vadd.s32 v8, v1;
	v14 =	vshrl.u32 v1, $0x11;
	v12 =	vor.u32 v13, v12  }
0x9b: {  	v1 =	vshll.u32 v1, $0xF;
	v13 =	vshrl.u32 v11, $0x11;
	v11 =	vshll.u32 v11, $0xF  }
0x9c: {  	v12 =	vxor.u32 v9, v12;
	v1 =	vor.u32 v14, v1;
	v11 =	vor.u32 v13, v11  }
0x9d: {  	v9 =	vadd.s32 v9, v12;
	v14 =	vshrl.u32 v12, $0x11;
	v1 =	vxor.u32 v8, v1  }
0x9e: {  	v12 =	vshll.u32 v12, $0xF;
	v11 =	vxor.u32 v10, v11;
	v8 =	vadd.s32 v8, v1  }
0x9f: {  	v13 =	vshrl.u32 v1, $0x6;
	v12 =	vor.u32 v14, v12;
	v1 =	vshll.u32 v1, $0x1A  }
0xa0: {  	v10 =	vadd.s32 v10, v11;
	v12 =	vxor.u32 v9, v12;
	v1 =	vor.u32 v13, v1  }
0xa1: {  	v13 =	vshrl.u32 v11, $0x6;
	v11 =	vshll.u32 v11, $0x1A;
	v9 =	vadd.s32 v9, v12  }
0xa2: {  	v14 =	vshrl.u32 v12, $0x6;
	v1 =	vxor.u32 v8, v1;
	v11 =	vor.u32 v13, v11  }
0xa3: {  	v12 =	vshll.u32 v12, $0x1A;
	v8 =	vadd.s32 v8, v1;
	v13 =	vshrl.u32 v1, $0x1A  }
0xa4: {  	v12 =	vor.u32 v14, v12;
	v1 =	vshll.u32 v1, $0x6;
	v11 =	vxor.u32 v10, v11  }
0xa5: {  	v12 =	vxor.u32 v9, v12;
	v1 =	vor.u32 v13, v1;
	v10 =	vadd.s32 v10, v11  }
0xa6: {  	v13 =	vshrl.u32 v11, $0x1A;
	v11 =	vshll.u32 v11, $0x6;
	v9 =	vadd.s32 v9, v12  }
0xa7: {  	v14 =	vshrl.u32 v12, $0x1A;
	v1 =	vxor.u32 v8, v1;
	v11 =	vor.u32 v13, v11  }
0xa8: {  	v12 =	vshll.u32 v12, $0x6;
	v1 =	vadd.s32 $0x1BD11BF1, v1;
	v11 =	vxor.u32 v10, v11  }
0xa9: {  	v12 =	vor.u32 v14, v12;
	v8 =	vadd.s32 v1, v8;
	v13 =	vshrl.u32 v1, $0xF  }
0xaa: {  	v12 =	vxor.u32 v9, v12;
	v1 =	vshll.u32 v1, $0x11;
	v11 =	vadd.s32 $0x1BD11BF1, v11  }
0xab: {  	v12 =	vadd.s32 $0x1BD11BF1, v12;
	v8 =	vadd.s32 $0x2A, v8;
	v1 =	vor.u32 v13, v1  }
0xac: {  	v10 =	vadd.s32 v11, v10;
	v13 =	vshrl.u32 v11, $0xF;
	v11 =	vshll.u32 v11, $0x11  }
0xad: {  	v9 =	vadd.s32 v12, v9;
	v1 =	vxor.u32 v8, v1;
	v14 =	vshrl.u32 v12, $0xF  }
0xae: {  	v12 =	vshll.u32 v12, $0x11;
	v10 =	vadd.s32 $0x2A, v10;
	v11 =	vor.u32 v13, v11  }
0xaf: {  	v9 =	vadd.s32 $0x2A, v9;
	v8 =	vadd.s32 v8, v1;
	v13 =	vshrl.u32 v1, $0x3  }
0xb0: {  	v12 =	vor.u32 v14, v12;
	v1 =	vshll.u32 v1, $0x1D;
	v11 =	vxor.u32 v10, v11  }
0xb1: {  	v12 =	vxor.u32 v9, v12;
	v1 =	vor.u32 v13, v1;
	v10 =	vadd.s32 v10, v11  }
0xb2: {  	v13 =	vshrl.u32 v11, $0x3;
	v11 =	vshll.u32 v11, $0x1D;
	v9 =	vadd.s32 v9, v12  }
0xb3: {  	v14 =	vshrl.u32 v12, $0x3;
	v1 =	vxor.u32 v8, v1;
	v11 =	vor.u32 v13, v11  }
0xb4: {  	v12 =	vshll.u32 v12, $0x1D;
	v8 =	vadd.s32 v8, v1;
	v13 =	vshrl.u32 v1, $0x10  }
0xb5: {  	v12 =	vor.u32 v14, v12;
	v1 =	vshll.u32 v1, $0x10;
	v11 =	vxor.u32 v10, v11  }
0xb6: {  	v12 =	vxor.u32 v9, v12;
	v1 =	vor.u32 v13, v1;
	v10 =	vadd.s32 v10, v11  }
0xb7: {  	v13 =	vshrl.u32 v11, $0x10;
	v11 =	vshll.u32 v11, $0x10;
	v9 =	vadd.s32 v9, v12  }
0xb8: {  	v14 =	vshrl.u32 v12, $0x10;
	v1 =	vxor.u32 v8, v1;
	v11 =	vor.u32 v13, v11  }
0xb9: {  	v12 =	vshll.u32 v12, $0x10;
	v8 =	vadd.s32 v8, v1;
	v13 =	vshrl.u32 v1, $0x8  }
0xba: {  	v12 =	vor.u32 v14, v12;
	v1 =	vshll.u32 v1, $0x18;
	v11 =	vxor.u32 v10, v11  }
0xbb: {  	v12 =	vxor.u32 v9, v12;
	v1 =	vor.u32 v13, v1;
	v10 =	vadd.s32 v10, v11  }
0xbc: {  	v13 =	vshrl.u32 v11, $0x8;
	v11 =	vshll.u32 v11, $0x18;
	v9 =	vadd.s32 v9, v12  }
0xbd: {  	v14 =	vshrl.u32 v12, $0x8;
	v1 =	vxor.u32 v8, v1;
	v11 =	vor.u32 v13, v11  }
0xbe: {  	v12 =	vshll.u32 v12, $0x18;
	v1 =	vadd.s32 $0x2, v1;
	v11 =	vxor.u32 v10, v11  }
0xbf: {  	v12 =	vor.u32 v14, v12;
	v8 =	vadd.s32 v1, v8;
	v13 =	vshrl.u32 v1, $0x13  }
0xc0: {  	v12 =	vxor.u32 v9, v12;
	v1 =	vshll.u32 v1, $0xD;
	v11 =	vadd.s32 $0x2, v11  }
0xc1: {  	v12 =	vadd.s32 $0x2, v12;
	v8 =	vadd.s32 $0x1BD11BF0, v8;
	v1 =	vor.u32 v13, v1  }
0xc2: {  	v10 =	vadd.s32 v11, v10;
	v13 =	vshrl.u32 v11, $0x13;
	v11 =	vshll.u32 v11, $0xD  }
0xc3: {  	v9 =	vadd.s32 v12, v9;
	v1 =	vxor.u32 v8, v1;
	v14 =	vshrl.u32 v12, $0x13  }
0xc4: {  	v12 =	vshll.u32 v12, $0xD;
	v10 =	vadd.s32 $0x1BD11BF0, v10;
	v11 =	vor.u32 v13, v11  }
0xc5: {  	v9 =	vadd.s32 $0x1BD11BF0, v9;
	v8 =	vadd.s32 v8, v1;
	v13 =	vshrl.u32 v1, $0x11  }
0xc6: {  	v12 =	vor.u32 v14, v12;
	v1 =	vshll.u32 v1, $0xF;
	v11 =	vxor.u32 v10, v11  }
0xc7: {  	v12 =	vxor.u32 v9, v12;
	v1 =	vor.u32 v13, v1;
	v10 =	vadd.s32 v10, v11  }
0xc8: {  	v13 =	vshrl.u32 v11, $0x11;
	v11 =	vshll.u32 v11, $0xF;
	v9 =	vadd.s32 v9, v12  }
0xc9: {  	v14 =	vshrl.u32 v12, $0x11;
	v1 =	vxor.u32 v8, v1;
	v11 =	vor.u32 v13, v11  }
0xca: {  	v12 =	vshll.u32 v12, $0xF;
	v8 =	vadd.s32 v8, v1;
	v13 =	vshrl.u32 v1, $0x6  }
0xcb: {  	v12 =	vor.u32 v14, v12;
	v1 =	vshll.u32 v1, $0x1A;
	v11 =	vxor.u32 v10, v11  }
0xcc: {  	v12 =	vxor.u32 v9, v12;
	v1 =	vor.u32 v13, v1;
	v10 =	vadd.s32 v10, v11  }
0xcd: {  	v13 =	vshrl.u32 v11, $0x6;
	v11 =	vshll.u32 v11, $0x1A;
	v9 =	vadd.s32 v9, v12  }
0xce: {  	v14 =	vshrl.u32 v12, $0x6;
	v1 =	vxor.u32 v8, v1;
	v11 =	vor.u32 v13, v11  }
0xcf: {  	v12 =	vshll.u32 v12, $0x1A;
	v8 =	vadd.s32 v8, v1;
	v13 =	vshrl.u32 v1, $0x1A  }
0xd0: {  	v12 =	vor.u32 v14, v12;
	v1 =	vshll.u32 v1, $0x6;
	v11 =	vxor.u32 v10, v11  }
0xd1: {  	v12 =	vxor.u32 v9, v12;
	v1 =	vor.u32 v13, v1;
	v10 =	vadd.s32 v10, v11  }
0xd2: {  	v13 =	vshrl.u32 v11, $0x1A;
	v11 =	vshll.u32 v11, $0x6;
	v9 =	vadd.s32 v9, v12  }
0xd3: {  	v14 =	vshrl.u32 v12, $0x1A;
	v1 =	vxor.u32 v8, v1;
	v11 =	vor.u32 v13, v11  }
0xd4: {  	v12 =	vshll.u32 v12, $0x6;
	v1 =	vadd.s32 $0x2D, v1;
	v11 =	vxor.u32 v10, v11  }
0xd5: {  	v12 =	vor.u32 v14, v12;
	v8 =	vadd.s32 v8, v1;
	v13 =	vshrl.u32 v1, $0xF  }
0xd6: {  	v12 =	vxor.u32 v9, v12;
	v1 =	vshll.u32 v1, $0x11;
	v11 =	vadd.s32 $0x2D, v11  }
0xd7: {  	v12 =	vadd.s32 $0x2D, v12;
	v1 =	vor.u32 v13, v1;
	v10 =	vadd.s32 v10, v11  }
0xd8: {  	v13 =	vshrl.u32 v11, $0xF;
	v11 =	vshll.u32 v11, $0x11;
	v9 =	vadd.s32 v9, v12  }
0xd9: {  	v14 =	vshrl.u32 v12, $0xF;
	v1 =	vxor.u32 v8, v1;
	v11 =	vor.u32 v13, v11  }
0xda: {  	v12 =	vshll.u32 v12, $0x11;
	v8 =	vadd.s32 v8, v1;
	v13 =	vshrl.u32 v1, $0x3  }
0xdb: {  	v12 =	vor.u32 v14, v12;
	v1 =	vshll.u32 v1, $0x1D;
	v11 =	vxor.u32 v10, v11  }
0xdc: {  	v12 =	vxor.u32 v9, v12;
	v1 =	vor.u32 v13, v1;
	v10 =	vadd.s32 v10, v11  }
0xdd: {  	v13 =	vshrl.u32 v11, $0x3;
	v11 =	vshll.u32 v11, $0x1D;
	v9 =	vadd.s32 v9, v12  }
0xde: {  	v14 =	vshrl.u32 v12, $0x3;
	v1 =	vxor.u32 v8, v1;
	v11 =	vor.u32 v13, v11  }
0xdf: {  	v12 =	vshll.u32 v12, $0x1D;
	v8 =	vadd.s32 v8, v1;
	v13 =	vshrl.u32 v1, $0x10  }
0xe0: {  	v12 =	vor.u32 v14, v12;
	v1 =	vshll.u32 v1, $0x10;
	v11 =	vxor.u32 v10, v11  }
0xe1: {  	v12 =	vxor.u32 v9, v12;
	v1 =	vor.u32 v13, v1;
	v10 =	vadd.s32 v10, v11  }
0xe2: {  	v13 =	vshrl.u32 v11, $0x10;
	v11 =	vshll.u32 v11, $0x10;
	v9 =	vadd.s32 v9, v12  }
0xe3: {  	v14 =	vshrl.u32 v12, $0x10;
	v1 =	vxor.u32 v8, v1;
	v11 =	vor.u32 v13, v11  }
0xe4: {  	v12 =	vshll.u32 v12, $0x10;
	v8 =	vadd.s32 v8, v1;
	v13 =	vshrl.u32 v1, $0x8  }
0xe5: {  	v12 =	vor.u32 v14, v12;
	v1 =	vshll.u32 v1, $0x18;
	v11 =	vxor.u32 v10, v11  }
0xe6: {  	v12 =	vxor.u32 v9, v12;
	v1 =	vor.u32 v13, v1;
	v10 =	vadd.s32 v10, v11  }
0xe7: {  	v13 =	vshrl.u32 v11, $0x8;
	v11 =	vshll.u32 v11, $0x18;
	v9 =	vadd.s32 v9, v12  }
0xe8: {  	v14 =	vshrl.u32 v12, $0x8;
	v1 =	vxor.u32 v8, v1;
	v11 =	vor.u32 v13, v11  }
0xe9: {  	v12 =	vshll.u32 v12, $0x18;
	v1 =	vadd.s32 $0x1BD11BF4, v1;
	v11 =	vxor.u32 v10, v11  }
0xea: {  	v12 =	vor.u32 v14, v12;
	v8 =	vadd.s32 v1, v8;
	v13 =	vshrl.u32 v1, $0x13  }
0xeb: {  	v12 =	vxor.u32 v9, v12;
	v1 =	vshll.u32 v1, $0xD;
	v11 =	vadd.s32 $0x1BD11BF4, v11  }
0xec: {  	v12 =	vadd.s32 $0x1BD11BF4, v12;
	v8 =	vadd.s32 $0x2A, v8;
	v1 =	vor.u32 v13, v1  }
0xed: {  	v10 =	vadd.s32 v11, v10;
	v13 =	vshrl.u32 v11, $0x13;
	v11 =	vshll.u32 v11, $0xD  }
0xee: {  	v9 =	vadd.s32 v12, v9;
	v1 =	vxor.u32 v8, v1;
	v14 =	vshrl.u32 v12, $0x13  }
0xef: {  	v12 =	vshll.u32 v12, $0xD;
	v10 =	vadd.s32 $0x2A, v10;
	v11 =	vor.u32 v13, v11  }
0xf0: {  	v9 =	vadd.s32 $0x2A, v9;
	v8 =	vadd.s32 v8, v1;
	v13 =	vshrl.u32 v1, $0x11  }
0xf1: {  	v12 =	vor.u32 v14, v12;
	v1 =	vshll.u32 v1, $0xF;
	v11 =	vxor.u32 v10, v11  }
0xf2: {  	v12 =	vxor.u32 v9, v12;
	v1 =	vor.u32 v13, v1;
	v10 =	vadd.s32 v10, v11  }
0xf3: {  	v13 =	vshrl.u32 v11, $0x11;
	v11 =	vshll.u32 v11, $0xF;
	v9 =	vadd.s32 v9, v12  }
0xf4: {  	v14 =	vshrl.u32 v12, $0x11;
	v1 =	vxor.u32 v8, v1;
	v11 =	vor.u32 v13, v11  }
0xf5: {  	v12 =	vshll.u32 v12, $0xF;
	v8 =	vadd.s32 v8, v1;
	v13 =	vshrl.u32 v1, $0x6  }
0xf6: {  	v12 =	vor.u32 v14, v12;
	v1 =	vshll.u32 v1, $0x1A;
	v11 =	vxor.u32 v10, v11  }
0xf7: {  	v12 =	vxor.u32 v9, v12;
	v1 =	vor.u32 v13, v1;
	v10 =	vadd.s32 v10, v11  }
0xf8: {  	v13 =	vshrl.u32 v11, $0x6;
	v11 =	vshll.u32 v11, $0x1A;
	v9 =	vadd.s32 v9, v12  }
0xf9: {  	v14 =	vshrl.u32 v12, $0x6;
	v1 =	vxor.u32 v8, v1;
	v11 =	vor.u32 v13, v11  }
0xfa: {  	v12 =	vshll.u32 v12, $0x1A;
	v8 =	vadd.s32 v8, v1;
	v13 =	vshrl.u32 v1, $0x1A  }
0xfb: {  	v12 =	vor.u32 v14, v12;
	v14 =	vshll.u32 v1, $0x6;
	v11 =	vxor.u32 v10, v11  }
0xfc: {  	[tilespmem:s11+$0xFFFFFFE0] =	vst v5;
	v12 =	vxor.u32 v9, v12;
	v13 =	vor.u32 v13, v14;
	v5 =	vadd.s32 $0x1BD11BF0, v8  }
0xfd: {  	[tilespmem:s11+$0x0] =	vst v7;
	v10 =	vadd.s32 v10, v11;
	v14 =	vshrl.u32 v11, $0x1A;
	v7 =	vshll.u32 v11, $0x6  }
0xfe: {  	[tilespmem:s11+$0x10] =	vst v6;
	v9 =	vadd.s32 v9, v12;
	v11 =	vadd.s32 $0x1BD11BF0, v10;
	v6 =	vshrl.u32 v12, $0x1A  }
0xff: {  	v12 =	vshll.u32 v12, $0x6;
	v8 =	vxor.u32 v8, v13;
	v7 =	vor.u32 v14, v7  }
0x100: {  	v14 =	vadd.s32 $0x1BD11BF0, v9;
	v8 =	vadd.s32 $0x5, v8;
	v6 =	vor.u32 v6, v12  }
0x101: {  	s12 =	simm.s32 $0x60;
	v12 =	vshll.u32 v4, $0xD;
	v5 =	vxor.u32 v5, v8;
	v8 =	vshrl.u32 v4, $0x13  }
0x102: {  	v7 =	vxor.u32 v10, v7;
	v10 =	vld [tilespmem:s12+$0x0];
	vm13 =	vlt.u32 v5, $0x19999A00;
	v5 =	vor.u32 v8, v12  }
0x103: {  	v7 =	vadd.s32 $0x5, v7;
	v6 =	vxor.u32 v9, v6;
	v5 =	vxor.u32 v4, v5  }
0x104: {  	v7 =	vxor.u32 v11, v7;
	v9 =	vshrl.u32 v5, $0x11;
	v11 =	vshll.u32 v5, $0xF  }
0x105: {  	v3 =	vadd.s32 $0x2D, v3;
	v4 =	vadd.s32 v4, v5;
	v5 =	vor.u32 v9, v11  }
0x106: {  	v2 =	vadd.s32 v2, v3;
	vm14 =	vlt.u32 v7, $0x19999A00;
	v5 =	vxor.u32 v4, v5  }
0x107: {  	v9 =	vsel vm14, $0x16, v10;
	v7 =	vshrl.u32 v5, $0x6;
	v10 =	vshll.u32 v5, $0x1A  }
0x108: {  	v6 =	vadd.s32 $0x5, v6;
	v4 =	vadd.s32 v4, v5;
	v5 =	vor.u32 v7, v10  }
0x109: {  	v11 =	vshrl.u32 v3, $0xF;
	v7 =	vshll.u32 v3, $0x11;
	v3 =	vxor.u32 v4, v5  }
0x10a: {  	v6 =	vxor.u32 v14, v6;
	v5 =	vor.u32 v11, v7;
	v7 =	vshrl.u32 v3, $0x1A  }
0x10b: {  	v10 =	vshll.u32 v3, $0x6;
	v5 =	vxor.u32 v2, v5;
	v3 =	vadd.s32 v4, v3  }
0x10c: {  	v4 =	vor.u32 v7, v10;
	v7 =	vshrl.u32 v5, $0x3;
	v10 =	vshll.u32 v5, $0x1D  }
0x10d: {  	v2 =	vadd.s32 v2, v5;
	v4 =	vxor.u32 v3, v4;
	v5 =	vor.u32 v7, v10  }
0x10e: {  	vm15 =	vlt.u32 v6, $0x19999A00;
	v4 =	vadd.s32 $0x1BD11BF1, v4;
	v5 =	vxor.u32 v2, v5  }
0x10f: {  	v3 =	vadd.s32 v4, v3;
	v7 =	vshrl.u32 v4, $0xF;
	v4 =	vshll.u32 v4, $0x11  }
0x110: {  	v10 =	vshll.u32 v5, $0x10;
	v3 =	vadd.s32 $0x2A, v3;
	v4 =	vor.u32 v7, v4  }
0x111: {  	v2 =	vadd.s32 v2, v5;
	v7 =	vshrl.u32 v5, $0x10;
	v4 =	vxor.u32 v3, v4  }
0x112: {  	v7 =	vor.u32 v7, v10;
	v5 =	vshrl.u32 v4, $0x3;
	v11 =	vshll.u32 v4, $0x1D  }
0x113: {  	v13 =	vld [tilespmem:s12+$0xFFFFFFE0];
	v3 =	vadd.s32 v3, v4;
	v4 =	vor.u32 v5, v11;
	v5 =	vxor.u32 v2, v7  }
0x114: {  	v4 =	vxor.u32 v3, v4;
	v6 =	vshrl.u32 v5, $0x8;
	v11 =	vshll.u32 v5, $0x18  }
0x115: {  	v2 =	vadd.s32 v2, v5;
	v7 =	vshrl.u32 v4, $0x10;
	v10 =	vshll.u32 v4, $0x10  }
0x116: {  	v3 =	vadd.s32 v3, v4;
	v5 =	vor.u32 v6, v11;
	v4 =	vor.u32 v7, v10  }
0x117: {  	v5 =	vxor.u32 v2, v5;
	v10 =	vld [tilespmem:s12+$0x10];
	v4 =	vxor.u32 v3, v4  }
0x118: {  	v8 =	vsel vm13, $0x16, v13;
	v5 =	vadd.s32 $0x1BD11BF4, v5;
	v6 =	vshrl.u32 v4, $0x8  }
0x119: {  	v7 =	vshll.u32 v4, $0x18;
	v3 =	vadd.s32 v3, v4;
	v2 =	vadd.s32 v5, v2  }
0x11a: {  	v4 =	vor.u32 v6, v7;
	v6 =	vshrl.u32 v5, $0x13;
	v5 =	vshll.u32 v5, $0xD  }
0x11b: {  	v2 =	vadd.s32 $0x2A, v2;
	v4 =	vxor.u32 v3, v4;
	v5 =	vor.u32 v6, v5  }
0x11c: {  	v4 =	vadd.s32 $0x2, v4;
	v10 =	vsel vm15, $0x16, v10;
	v5 =	vxor.u32 v2, v5  }
0x11d: {  	v3 =	vadd.s32 v4, v3;
	v7 =	vshrl.u32 v4, $0x13;
	v4 =	vshll.u32 v4, $0xD  }
0x11e: {  	v6 =	vshrl.u32 v5, $0x11;
	v3 =	vadd.s32 $0x1BD11BF0, v3;
	v4 =	vor.u32 v7, v4  }
0x11f: {  	s29 =	sadd.s32 $0x80, s6;
	v12 =	vshll.u32 v5, $0xF;
	v2 =	vadd.s32 v2, v5;
	v4 =	vxor.u32 v3, v4  }
0x120: {  	s30 =	sadd.s32 $0x20, s29;
	v5 =	vor.u32 v6, v12;
	v7 =	vshrl.u32 v4, $0x11;
	v11 =	vshll.u32 v4, $0xF  }
0x121: {  	v12 =	vadd.s32 s30, v0;
	v3 =	vadd.s32 v3, v4;
	v4 =	vor.u32 v7, v11  }
0x122: {  	v5 =	vxor.u32 v2, v5;
	v13 =	vshrl.u32 v12, $0x13;
	v4 =	vxor.u32 v3, v4  }
0x123: {  	v14 =	vshll.u32 v12, $0xD;
	v6 =	vshrl.u32 v4, $0x6;
	v7 =	vshll.u32 v4, $0x1A  }
0x124: {  	v13 =	vor.u32 v13, v14;
	v4 =	vadd.s32 v3, v4;
	v3 =	vor.u32 v6, v7  }
0x125: {  	v6 =	vshrl.u32 v5, $0x6;
	v7 =	vshll.u32 v5, $0x1A;
	v11 =	vxor.u32 v4, v3  }
0x126: {  	v3 =	vadd.s32 v2, v5;
	v2 =	vor.u32 v6, v7;
	v6 =	vshrl.u32 v11, $0x1A  }
0x127: {  	v7 =	vshll.u32 v11, $0x6;
	v5 =	vadd.s32 v4, v11;
	v4 =	vxor.u32 v3, v2  }
0x128: {  	v2 =	vmov s29;
	v6 =	vor.u32 v6, v7;
	v7 =	vor.u32 s29, v0  }
0x129: {  	s31 =	sadd.s32 $0x30, s29;
	v13 =	vxor.u32 v12, v13;
	v2 =	vshrl.u32 v2, $0x13;
	v11 =	vshll.u32 v7, $0xD  }
0x12a: {  	v12 =	vadd.s32 v12, v13;
	v2 =	vor.u32 v2, v11;
	v11 =	vadd.s32 s31, v0  }
0x12b: {  	v6 =	vxor.u32 v5, v6;
	v15 =	vshrl.u32 v11, $0x13;
	v2 =	vxor.u32 v7, v2  }
0x12c: {  	v14 =	vshll.u32 v11, $0xD;
	v7 =	vadd.s32 v7, v2;
	v16 =	vshrl.u32 v2, $0x11  }
0x12d: {  	v14 =	vor.u32 v15, v14;
	v2 =	vshll.u32 v2, $0xF;
	v15 =	vshrl.u32 v13, $0x11  }
0x12e: {  	v13 =	vshll.u32 v13, $0xF;
	v14 =	vxor.u32 v11, v14;
	v2 =	vor.u32 v16, v2  }
0x12f: {  	v13 =	vor.u32 v15, v13;
	v11 =	vadd.s32 v11, v14;
	v57 =	vshrl.u32 v14, $0x11  }
0x130: {  	v2 =	vxor.u32 v7, v2;
	v14 =	vshll.u32 v14, $0xF;
	v13 =	vxor.u32 v12, v13  }
0x131: {  	v7 =	vadd.s32 v7, v2;
	v15 =	vshrl.u32 v2, $0x6;
	v14 =	vor.u32 v57, v14  }
0x132: {  	v2 =	vshll.u32 v2, $0x1A;
	v12 =	vadd.s32 v12, v13;
	v14 =	vxor.u32 v11, v14  }
0x133: {  	v2 =	vor.u32 v15, v2;
	v15 =	vshrl.u32 v13, $0x6;
	v13 =	vshll.u32 v13, $0x1A  }
0x134: {  	v11 =	vadd.s32 v11, v14;
	v58 =	vshrl.u32 v14, $0x6;
	v2 =	vxor.u32 v7, v2  }
0x135: {  	v13 =	vor.u32 v15, v13;
	v14 =	vshll.u32 v14, $0x1A;
	v7 =	vadd.s32 v7, v2  }
0x136: {  	v15 =	vshrl.u32 v2, $0x1A;
	v14 =	vor.u32 v58, v14;
	v2 =	vshll.u32 v2, $0x6  }
0x137: {  	v13 =	vxor.u32 v12, v13;
	v14 =	vxor.u32 v11, v14;
	v2 =	vor.u32 v15, v2  }
0x138: {  	v12 =	vadd.s32 v12, v13;
	v15 =	vshrl.u32 v13, $0x1A;
	v13 =	vshll.u32 v13, $0x6  }
0x139: {  	v11 =	vadd.s32 v11, v14;
	v59 =	vshrl.u32 v14, $0x1A;
	v2 =	vxor.u32 v7, v2  }
0x13a: {  	v13 =	vor.u32 v15, v13;
	v14 =	vshll.u32 v14, $0x6;
	v2 =	vadd.s32 $0x1BD11BF1, v2  }
0x13b: {  	v13 =	vxor.u32 v12, v13;
	v14 =	vor.u32 v59, v14;
	v7 =	vadd.s32 v2, v7  }
0x13c: {  	v15 =	vshrl.u32 v2, $0xF;
	v14 =	vxor.u32 v11, v14;
	v2 =	vshll.u32 v2, $0x11  }
0x13d: {  	v13 =	vadd.s32 $0x1BD11BF1, v13;
	v14 =	vadd.s32 $0x1BD11BF1, v14;
	v7 =	vadd.s32 $0x2A, v7  }
0x13e: {  	v2 =	vor.u32 v15, v2;
	v12 =	vadd.s32 v13, v12;
	v15 =	vshrl.u32 v13, $0xF  }
0x13f: {  	v13 =	vshll.u32 v13, $0x11;
	v11 =	vadd.s32 v14, v11;
	v2 =	vxor.u32 v7, v2  }
0x140: {  	v60 =	vshrl.u32 v14, $0xF;
	v14 =	vshll.u32 v14, $0x11;
	v12 =	vadd.s32 $0x2A, v12  }
0x141: {  	v13 =	vor.u32 v15, v13;
	v11 =	vadd.s32 $0x2A, v11;
	v7 =	vadd.s32 v7, v2  }
0x142: {  	v15 =	vshrl.u32 v2, $0x3;
	v14 =	vor.u32 v60, v14;
	v2 =	vshll.u32 v2, $0x1D  }
0x143: {  	v13 =	vxor.u32 v12, v13;
	v14 =	vxor.u32 v11, v14;
	v2 =	vor.u32 v15, v2  }
0x144: {  	v12 =	vadd.s32 v12, v13;
	v15 =	vshrl.u32 v13, $0x3;
	v13 =	vshll.u32 v13, $0x1D  }
0x145: {  	v11 =	vadd.s32 v11, v14;
	v61 =	vshrl.u32 v14, $0x3;
	v2 =	vxor.u32 v7, v2  }
0x146: {  	v13 =	vor.u32 v15, v13;
	v14 =	vshll.u32 v14, $0x1D;
	v7 =	vadd.s32 v7, v2  }
0x147: {  	v15 =	vshrl.u32 v2, $0x10;
	v14 =	vor.u32 v61, v14;
	v2 =	vshll.u32 v2, $0x10  }
0x148: {  	v13 =	vxor.u32 v12, v13;
	v14 =	vxor.u32 v11, v14;
	v2 =	vor.u32 v15, v2  }
0x149: {  	v12 =	vadd.s32 v12, v13;
	v15 =	vadd.s32 v11, v14;
	v11 =	vshrl.u32 v13, $0x10  }
0x14a: {  	v13 =	vshll.u32 v13, $0x10;
	v62 =	vshrl.u32 v14, $0x10;
	v2 =	vxor.u32 v7, v2  }
0x14b: {  	v11 =	vor.u32 v11, v13;
	v13 =	vshll.u32 v14, $0x10;
	v14 =	vadd.s32 v7, v2  }
0x14c: {  	v7 =	vshrl.u32 v2, $0x8;
	v2 =	vshll.u32 v2, $0x18;
	v13 =	vor.u32 v62, v13  }
0x14d: {  	v63 =	vxor.u32 v12, v11;
	v17 =	vor.u32 v7, v2;
	v13 =	vxor.u32 v15, v13  }
0x14e: {  	s13 =	sadd.s32 $0x10, s29;
	v11 =	vadd.s32 v12, v63;
	v7 =	vshrl.u32 v63, $0x8;
	v12 =	vshll.u32 v63, $0x18  }
0x14f: {  	v1 =	vld [tilespmem:s11+$0xFFFFFFF0];
	[tilespmem:s12+$0xFFFFFFE0] =	vst v8;
	v8 =	vxor.u32 v14, v17;
	v16 =	vor.u32 v7, v12;
	v7 =	vadd.s32 s13, v0  }
0x150: {  	v12 =	vadd.s32 v15, v13;
	v15 =	vshrl.u32 v13, $0x8;
	v13 =	vshll.u32 v13, $0x18  }
0x151: {  	[tilespmem:s12+$0x0] =	vst v9;
	v8 =	vadd.s32 $0x2, v8;
	v9 =	vxor.u32 v11, v16;
	v15 =	vor.u32 v15, v13  }
0x152: {  	s14 =	simm.s32 $0xC0;
	[tilespmem:s12+$0x10] =	vst v10;
	v2 =	vld [tilespmem:s12+$0xFFFFFFF0];
	s13 =	simm.s32 $0x60;
	v10 =	vadd.s32 v8, v14;
	v13 =	vshrl.u32 v8, $0x13;
	v14 =	vxor.u32 v12, v15  }
.LBB2_2:
0x153: {  	p0 =	sne.s32 s14, $0x3C0;
	v8 =	vshll.u32 v8, $0xD;
	v9 =	vadd.s32 $0x2, v9;
	v14 =	vadd.s32 $0x2, v14  }
0x154: {  	v10 =	vadd.s32 $0x1BD11BF0, v10;
	v8 =	vor.u32 v13, v8;
	v11 =	vadd.s32 v9, v11  }
0x155: {  	v13 =	vshrl.u32 v9, $0x13;
	v9 =	vshll.u32 v9, $0xD;
	v12 =	vadd.s32 v14, v12  }
0x156: {  	v15 =	vshrl.u32 v14, $0x13;
	v14 =	vshll.u32 v14, $0xD;
	v8 =	vxor.u32 v10, v8  }
0x157: {  	v11 =	vadd.s32 $0x1BD11BF0, v11;
	v9 =	vor.u32 v13, v9;
	v12 =	vadd.s32 $0x1BD11BF0, v12  }
0x158: {  	v14 =	vor.u32 v15, v14;
	v10 =	vadd.s32 v10, v8;
	v13 =	vshrl.u32 v8, $0x11  }
0x159: {  	v8 =	vshll.u32 v8, $0xF;
	v9 =	vxor.u32 v11, v9;
	v14 =	vxor.u32 v12, v14  }
0x15a: {  	v8 =	vor.u32 v13, v8;
	v11 =	vadd.s32 v11, v9;
	v12 =	vadd.s32 v12, v14  }
0x15b: {  	v13 =	vshrl.u32 v9, $0x11;
	v9 =	vshll.u32 v9, $0xF;
	v15 =	vshrl.u32 v14, $0x11  }
0x15c: {  	v8 =	vxor.u32 v10, v8;
	v9 =	vor.u32 v13, v9;
	v13 =	vshll.u32 v14, $0xF  }
0x15d: {  	v10 =	vadd.s32 v10, v8;
	v14 =	vshrl.u32 v8, $0x6;
	v13 =	vor.u32 v15, v13  }
0x15e: {  	v8 =	vshll.u32 v8, $0x1A;
	v9 =	vxor.u32 v11, v9;
	v13 =	vxor.u32 v12, v13  }
0x15f: {  	v8 =	vor.u32 v14, v8;
	v11 =	vadd.s32 v11, v9;
	v12 =	vadd.s32 v12, v13  }
0x160: {  	v14 =	vshrl.u32 v9, $0x6;
	v9 =	vshll.u32 v9, $0x1A;
	v15 =	vshrl.u32 v13, $0x6  }
0x161: {  	v8 =	vxor.u32 v10, v8;
	v9 =	vor.u32 v14, v9;
	v13 =	vshll.u32 v13, $0x1A  }
0x162: {  	v10 =	vadd.s32 v10, v8;
	v14 =	vshrl.u32 v8, $0x1A;
	v13 =	vor.u32 v15, v13  }
0x163: {  	v8 =	vshll.u32 v8, $0x6;
	v9 =	vxor.u32 v11, v9;
	v13 =	vxor.u32 v12, v13  }
0x164: {  	v8 =	vor.u32 v14, v8;
	v11 =	vadd.s32 v11, v9;
	v12 =	vadd.s32 v12, v13  }
0x165: {  	v14 =	vshrl.u32 v9, $0x1A;
	v9 =	vshll.u32 v9, $0x6;
	v15 =	vshrl.u32 v13, $0x1A  }
0x166: {  	v8 =	vxor.u32 v10, v8;
	v9 =	vor.u32 v14, v9;
	v13 =	vshll.u32 v13, $0x6  }
0x167: {  	v8 =	vadd.s32 $0x2D, v8;
	v9 =	vxor.u32 v11, v9;
	v13 =	vor.u32 v15, v13  }
0x168: {  	v10 =	vadd.s32 v10, v8;
	v14 =	vshrl.u32 v8, $0xF;
	v13 =	vxor.u32 v12, v13  }
0x169: {  	v8 =	vshll.u32 v8, $0x11;
	v9 =	vadd.s32 $0x2D, v9;
	v13 =	vadd.s32 $0x2D, v13  }
0x16a: {  	v8 =	vor.u32 v14, v8;
	v11 =	vadd.s32 v11, v9;
	v12 =	vadd.s32 v12, v13  }
0x16b: {  	v14 =	vshrl.u32 v9, $0xF;
	v9 =	vshll.u32 v9, $0x11;
	v15 =	vshrl.u32 v13, $0xF  }
0x16c: {  	v8 =	vxor.u32 v10, v8;
	v9 =	vor.u32 v14, v9;
	v13 =	vshll.u32 v13, $0x11  }
0x16d: {  	v10 =	vadd.s32 v10, v8;
	v14 =	vshrl.u32 v8, $0x3;
	v13 =	vor.u32 v15, v13  }
0x16e: {  	v8 =	vshll.u32 v8, $0x1D;
	v9 =	vxor.u32 v11, v9;
	v13 =	vxor.u32 v12, v13  }
0x16f: {  	v8 =	vor.u32 v14, v8;
	v11 =	vadd.s32 v11, v9;
	v12 =	vadd.s32 v12, v13  }
0x170: {  	v14 =	vshrl.u32 v9, $0x3;
	v9 =	vshll.u32 v9, $0x1D;
	v15 =	vshrl.u32 v13, $0x3  }
0x171: {  	v8 =	vxor.u32 v10, v8;
	v9 =	vor.u32 v14, v9;
	v13 =	vshll.u32 v13, $0x1D  }
0x172: {  	v10 =	vadd.s32 v10, v8;
	v14 =	vshrl.u32 v8, $0x10;
	v13 =	vor.u32 v15, v13  }
0x173: {  	v8 =	vshll.u32 v8, $0x10;
	v9 =	vxor.u32 v11, v9;
	v13 =	vxor.u32 v12, v13  }
0x174: {  	v8 =	vor.u32 v14, v8;
	v11 =	vadd.s32 v11, v9;
	v12 =	vadd.s32 v12, v13  }
0x175: {  	v14 =	vshrl.u32 v9, $0x10;
	v9 =	vshll.u32 v9, $0x10;
	v15 =	vshrl.u32 v13, $0x10  }
0x176: {  	v8 =	vxor.u32 v10, v8;
	v9 =	vor.u32 v14, v9;
	v13 =	vshll.u32 v13, $0x10  }
0x177: {  	v10 =	vadd.s32 v10, v8;
	v14 =	vshrl.u32 v8, $0x8;
	v13 =	vor.u32 v15, v13  }
0x178: {  	v8 =	vshll.u32 v8, $0x18;
	v9 =	vxor.u32 v11, v9;
	v13 =	vxor.u32 v12, v13  }
0x179: {  	v8 =	vor.u32 v14, v8;
	v11 =	vadd.s32 v11, v9;
	v12 =	vadd.s32 v12, v13  }
0x17a: {  	v14 =	vshrl.u32 v9, $0x8;
	v9 =	vshll.u32 v9, $0x18;
	v15 =	vshrl.u32 v13, $0x8  }
0x17b: {  	v8 =	vxor.u32 v10, v8;
	v9 =	vor.u32 v14, v9;
	v13 =	vshll.u32 v13, $0x18  }
0x17c: {  	v8 =	vadd.s32 $0x1BD11BF4, v8;
	v9 =	vxor.u32 v11, v9;
	v13 =	vor.u32 v15, v13  }
0x17d: {  	v10 =	vadd.s32 v8, v10;
	v14 =	vshrl.u32 v8, $0x13;
	v13 =	vxor.u32 v12, v13  }
0x17e: {  	v8 =	vshll.u32 v8, $0xD;
	v9 =	vadd.s32 $0x1BD11BF4, v9;
	v13 =	vadd.s32 $0x1BD11BF4, v13  }
0x17f: {  	v10 =	vadd.s32 $0x2A, v10;
	v8 =	vor.u32 v14, v8;
	v11 =	vadd.s32 v9, v11  }
0x180: {  	v14 =	vshrl.u32 v9, $0x13;
	v9 =	vshll.u32 v9, $0xD;
	v12 =	vadd.s32 v13, v12  }
0x181: {  	v8 =	vxor.u32 v10, v8;
	v15 =	vshrl.u32 v13, $0x13;
	v13 =	vshll.u32 v13, $0xD  }
0x182: {  	v11 =	vadd.s32 $0x2A, v11;
	v9 =	vor.u32 v14, v9;
	v12 =	vadd.s32 $0x2A, v12  }
0x183: {  	v10 =	vadd.s32 v10, v8;
	v14 =	vshrl.u32 v8, $0x11;
	v13 =	vor.u32 v15, v13  }
0x184: {  	v8 =	vshll.u32 v8, $0xF;
	v9 =	vxor.u32 v11, v9;
	v13 =	vxor.u32 v12, v13  }
0x185: {  	v8 =	vor.u32 v14, v8;
	v11 =	vadd.s32 v11, v9;
	v12 =	vadd.s32 v12, v13  }
0x186: {  	v14 =	vshrl.u32 v9, $0x11;
	v9 =	vshll.u32 v9, $0xF;
	v15 =	vshrl.u32 v13, $0x11  }
0x187: {  	v8 =	vxor.u32 v10, v8;
	v9 =	vor.u32 v14, v9;
	v13 =	vshll.u32 v13, $0xF  }
0x188: {  	v10 =	vadd.s32 v10, v8;
	v14 =	vshrl.u32 v8, $0x6;
	v13 =	vor.u32 v15, v13  }
0x189: {  	v8 =	vshll.u32 v8, $0x1A;
	v9 =	vxor.u32 v11, v9;
	v13 =	vxor.u32 v12, v13  }
0x18a: {  	v8 =	vor.u32 v14, v8;
	v11 =	vadd.s32 v11, v9;
	v12 =	vadd.s32 v12, v13  }
0x18b: {  	v14 =	vshrl.u32 v9, $0x6;
	v9 =	vshll.u32 v9, $0x1A;
	v15 =	vshrl.u32 v13, $0x6  }
0x18c: {  	v8 =	vxor.u32 v10, v8;
	v9 =	vor.u32 v14, v9;
	v13 =	vshll.u32 v13, $0x1A  }
0x18d: {  	v10 =	vadd.s32 v10, v8;
	v14 =	vshrl.u32 v8, $0x1A;
	v13 =	vor.u32 v15, v13  }
0x18e: {  	v8 =	vshll.u32 v8, $0x6;
	v9 =	vxor.u32 v11, v9;
	v13 =	vxor.u32 v12, v13  }
0x18f: {  	v8 =	vor.u32 v14, v8;
	v14 =	vadd.s32 $0x1BD11BF0, v10;
	v11 =	vadd.s32 v11, v9  }
0x190: {  	s12 =	sadd.s32 $0x40, s12;
	v15 =	vshrl.u32 v9, $0x1A;
	v9 =	vshll.u32 v9, $0x6;
	v12 =	vadd.s32 v12, v13  }
0x191: {  	v17 =	vadd.s32 $0x1BD11BF0, v11;
	v18 =	vshrl.u32 v13, $0x1A;
	v13 =	vshll.u32 v13, $0x6;
	v16 =	vld [tilespmem:s12+$0xFFFFFFE0]  }
0x192: {  	v8 =	vxor.u32 v10, v8;
	v9 =	vor.u32 v15, v9;
	v15 =	vadd.s32 $0x1BD11BF0, v12;
	v10 =	vld [tilespmem:s12+$0x0]  }
0x193: {  	v8 =	vadd.s32 $0x5, v8;
	v9 =	vxor.u32 v11, v9;
	v11 =	vor.u32 v18, v13;
	v13 =	vld [tilespmem:s12+$0x10]  }
0x194: {  	v14 =	vxor.u32 v14, v8;
	v9 =	vadd.s32 $0x5, v9;
	v11 =	vxor.u32 v12, v11;
	v8 =	vld [tilespmem:s12+$0xFFFFFFF0]  }
0x195: {  	vm0 =	vlt.u32 v14, $0x19999A00;
	v9 =	vxor.u32 v17, v9;
	v11 =	vadd.s32 $0x5, v11  }
0x196: {  	v12 =	vsel vm0, $0x16, v16;
	vm0 =	vlt.u32 v9, $0x19999A00;
	v9 =	vxor.u32 v15, v11  }
0x197: {  	v11 =	vshrl.u32 v7, $0x13;
	[tilespmem:s12+$0xFFFFFFE0] =	vst v12;
	v10 =	vsel vm0, $0x16, v10;
	vm0 =	vlt.u32 v9, $0x19999A00  }
0x198: {  	v6 =	vadd.s32 $0x2D, v6;
	v9 =	vshll.u32 v7, $0xD;
	[tilespmem:s12+$0x0] =	vst v10;
	v10 =	vsel vm0, $0x16, v13  }
0x199: {  	v9 =	vor.u32 v11, v9;
	v11 =	vshll.u32 v6, $0x11;
	[tilespmem:s12+$0x10] =	vst v10;
	v10 =	vshrl.u32 v6, $0xF  }
0x19a: {  	v5 =	vadd.s32 v5, v6;
	v9 =	vxor.u32 v7, v9;
	v6 =	vor.u32 v10, v11  }
0x19b: {  	v7 =	vadd.s32 v7, v9;
	v10 =	vshrl.u32 v9, $0x11;
	v9 =	vshll.u32 v9, $0xF  }
0x19c: {  	v9 =	vor.u32 v10, v9;
	v6 =	vxor.u32 v5, v6;
	v10 =	vshrl.u32 v4, $0x1A  }
0x19d: {  	v9 =	vxor.u32 v7, v9;
	v11 =	vshrl.u32 v6, $0x3;
	v12 =	vshll.u32 v6, $0x1D  }
0x19e: {  	v7 =	vadd.s32 v7, v9;
	v13 =	vshrl.u32 v9, $0x6;
	v9 =	vshll.u32 v9, $0x1A  }
0x19f: {  	v5 =	vadd.s32 v5, v6;
	v6 =	vor.u32 v11, v12;
	v9 =	vor.u32 v13, v9  }
0x1a0: {  	v11 =	vshll.u32 v4, $0x6;
	v6 =	vxor.u32 v5, v6;
	v9 =	vxor.u32 v7, v9  }
0x1a1: {  	v7 =	vadd.s32 v7, v9;
	v12 =	vshrl.u32 v9, $0x1A;
	v9 =	vshll.u32 v9, $0x6  }
0x1a2: {  	v13 =	vshll.u32 v6, $0x10;
	v9 =	vor.u32 v12, v9;
	v12 =	vshrl.u32 v6, $0x10  }
0x1a3: {  	v5 =	vadd.s32 v5, v6;
	v9 =	vxor.u32 v7, v9;
	v6 =	vor.u32 v12, v13  }
0x1a4: {  	v10 =	vor.u32 v10, v11;
	v9 =	vadd.s32 $0x1BD11BF1, v9;
	v6 =	vxor.u32 v5, v6  }
0x1a5: {  	v7 =	vadd.s32 v9, v7;
	v11 =	vshrl.u32 v9, $0xF;
	v9 =	vshll.u32 v9, $0x11  }
0x1a6: {  	v7 =	vadd.s32 $0x2A, v7;
	v9 =	vor.u32 v11, v9;
	v11 =	vshrl.u32 v6, $0x8  }
0x1a7: {  	v5 =	vadd.s32 v5, v6;
	v6 =	vshll.u32 v6, $0x18;
	v9 =	vxor.u32 v7, v9  }
0x1a8: {  	v7 =	vadd.s32 v7, v9;
	v12 =	vshrl.u32 v9, $0x3;
	v9 =	vshll.u32 v9, $0x1D  }
0x1a9: {  	v3 =	vadd.s32 v3, v4;
	v6 =	vor.u32 v11, v6;
	v9 =	vor.u32 v12, v9  }
0x1aa: {  	v6 =	vxor.u32 v5, v6;
	v4 =	vxor.u32 v7, v9;
	v9 =	vxor.u32 v3, v10  }
0x1ab: {  	v7 =	vadd.s32 v7, v4;
	v10 =	vshrl.u32 v4, $0x10;
	v4 =	vshll.u32 v4, $0x10  }
0x1ac: {  	v6 =	vadd.s32 $0x1BD11BF4, v6;
	v9 =	vadd.s32 $0x5, v9;
	v4 =	vor.u32 v10, v4  }
0x1ad: {  	v5 =	vadd.s32 v6, v5;
	v10 =	vshrl.u32 v6, $0x13;
	v4 =	vxor.u32 v7, v4  }
0x1ae: {  	v7 =	vadd.s32 v7, v4;
	v11 =	vshrl.u32 v4, $0x8;
	v4 =	vshll.u32 v4, $0x18  }
0x1af: {  	v5 =	vadd.s32 $0x2A, v5;
	v6 =	vshll.u32 v6, $0xD;
	v4 =	vor.u32 v11, v4  }
0x1b0: {  	v3 =	vadd.s32 $0x1BD11BF0, v3;
	v6 =	vor.u32 v10, v6;
	v4 =	vxor.u32 v7, v4  }
0x1b1: {  	v3 =	vxor.u32 v3, v9;
	v6 =	vxor.u32 v5, v6;
	v4 =	vadd.s32 $0x2, v4  }
0x1b2: {  	v7 =	vadd.s32 v4, v7;
	v9 =	vshrl.u32 v4, $0x13;
	v4 =	vshll.u32 v4, $0xD  }
0x1b3: {  	v7 =	vadd.s32 $0x1BD11BF0, v7;
	v4 =	vor.u32 v9, v4;
	v9 =	vshrl.u32 v6, $0x11  }
0x1b4: {  	v5 =	vadd.s32 v5, v6;
	v6 =	vshll.u32 v6, $0xF;
	v4 =	vxor.u32 v7, v4  }
0x1b5: {  	v7 =	vadd.s32 v7, v4;
	v10 =	vshrl.u32 v4, $0x11;
	v4 =	vshll.u32 v4, $0xF  }
0x1b6: {  	vm0 =	vlt.u32 v3, $0x19999A00;
	v6 =	vor.u32 v9, v6;
	v4 =	vor.u32 v10, v4  }
0x1b7: {  	v3 =	vxor.u32 v7, v4;
	v4 =	vxor.u32 v5, v6;
	v6 =	vsel vm0, $0x16, v1;
	v1 =	vmovc v2;
	v2 =	vmovc v8  }
0x1b8: {  	v7 =	vadd.s32 v7, v3;
	v8 =	vshrl.u32 v3, $0x6;
	v3 =	vshll.u32 v3, $0x1A;
	[tilespmem:s11+$0xFFFFFFF0] =	vst v6;
	s11 =	smov.u32 s13;
	s13 =	smov.u32 s12  }
0x1b9: {  	v3 =	vor.u32 v8, v3;
	v6 =	vshrl.u32 v4, $0x6;
	v8 =	vshll.u32 v4, $0x1A  }
0x1ba: {  	v9 =	vxor.u32 v7, v3;
	v3 =	vadd.s32 v5, v4;
	v4 =	vor.u32 v6, v8  }
0x1bb: {  	v5 =	vadd.s32 v7, v9;
	v6 =	vshrl.u32 v9, $0x1A;
	v7 =	vshll.u32 v9, $0x6  }
0x1bc: {  	s15 =	sadd.s32 s14, s6;
	v4 =	vxor.u32 v3, v4;
	v6 =	vor.u32 v6, v7  }
0x1bd: {  	s16 =	sadd.s32 $0x10, s15;
	v8 =	vor.u32 s15, v0;
	v7 =	vmov s15;
	v6 =	vxor.u32 v5, v6  }
0x1be: {  	v10 =	vshll.u32 v8, $0xD;
	v9 =	vshrl.u32 v7, $0x13;
	v7 =	vadd.s32 s16, v0;
	s16 =	sadd.s32 $0x20, s15;
	s15 =	sadd.s32 $0x30, s15  }
0x1bf: {  	v9 =	vor.u32 v9, v10;
	v10 =	vadd.s32 s16, v0;
	v11 =	vadd.s32 s15, v0  }
0x1c0: {  	v12 =	vshrl.u32 v10, $0x13;
	v13 =	vshll.u32 v10, $0xD;
	v14 =	vshrl.u32 v11, $0x13  }
0x1c1: {  	v9 =	vxor.u32 v8, v9;
	v12 =	vor.u32 v12, v13;
	v13 =	vshll.u32 v11, $0xD  }
0x1c2: {  	v8 =	vadd.s32 v8, v9;
	v15 =	vshrl.u32 v9, $0x11;
	v13 =	vor.u32 v14, v13  }
0x1c3: {  	v9 =	vshll.u32 v9, $0xF;
	v12 =	vxor.u32 v10, v12;
	v13 =	vxor.u32 v11, v13  }
0x1c4: {  	v9 =	vor.u32 v15, v9;
	v10 =	vadd.s32 v10, v12;
	v11 =	vadd.s32 v11, v13  }
0x1c5: {  	v14 =	vshrl.u32 v12, $0x11;
	v12 =	vshll.u32 v12, $0xF;
	v15 =	vshrl.u32 v13, $0x11  }
0x1c6: {  	v9 =	vxor.u32 v8, v9;
	v12 =	vor.u32 v14, v12;
	v13 =	vshll.u32 v13, $0xF  }
0x1c7: {  	v8 =	vadd.s32 v8, v9;
	v14 =	vshrl.u32 v9, $0x6;
	v13 =	vor.u32 v15, v13  }
0x1c8: {  	v9 =	vshll.u32 v9, $0x1A;
	v12 =	vxor.u32 v10, v12;
	v13 =	vxor.u32 v11, v13  }
0x1c9: {  	v9 =	vor.u32 v14, v9;
	v10 =	vadd.s32 v10, v12;
	v11 =	vadd.s32 v11, v13  }
0x1ca: {  	v14 =	vshrl.u32 v12, $0x6;
	v12 =	vshll.u32 v12, $0x1A;
	v15 =	vshrl.u32 v13, $0x6  }
0x1cb: {  	v9 =	vxor.u32 v8, v9;
	v12 =	vor.u32 v14, v12;
	v13 =	vshll.u32 v13, $0x1A  }
0x1cc: {  	v8 =	vadd.s32 v8, v9;
	v14 =	vshrl.u32 v9, $0x1A;
	v13 =	vor.u32 v15, v13  }
0x1cd: {  	v9 =	vshll.u32 v9, $0x6;
	v12 =	vxor.u32 v10, v12;
	v13 =	vxor.u32 v11, v13  }
0x1ce: {  	v9 =	vor.u32 v14, v9;
	v10 =	vadd.s32 v10, v12;
	v11 =	vadd.s32 v11, v13  }
0x1cf: {  	v14 =	vshrl.u32 v12, $0x1A;
	v12 =	vshll.u32 v12, $0x6;
	v15 =	vshrl.u32 v13, $0x1A  }
0x1d0: {  	v9 =	vxor.u32 v8, v9;
	v12 =	vor.u32 v14, v12;
	v13 =	vshll.u32 v13, $0x6  }
0x1d1: {  	v9 =	vadd.s32 $0x1BD11BF1, v9;
	v12 =	vxor.u32 v10, v12;
	v13 =	vor.u32 v15, v13  }
0x1d2: {  	v8 =	vadd.s32 v9, v8;
	v14 =	vshrl.u32 v9, $0xF;
	v13 =	vxor.u32 v11, v13  }
0x1d3: {  	v9 =	vshll.u32 v9, $0x11;
	v12 =	vadd.s32 $0x1BD11BF1, v12;
	v13 =	vadd.s32 $0x1BD11BF1, v13  }
0x1d4: {  	v8 =	vadd.s32 $0x2A, v8;
	v9 =	vor.u32 v14, v9;
	v10 =	vadd.s32 v12, v10  }
0x1d5: {  	v14 =	vshrl.u32 v12, $0xF;
	v12 =	vshll.u32 v12, $0x11;
	v11 =	vadd.s32 v13, v11  }
0x1d6: {  	v9 =	vxor.u32 v8, v9;
	v15 =	vshrl.u32 v13, $0xF;
	v13 =	vshll.u32 v13, $0x11  }
0x1d7: {  	v10 =	vadd.s32 $0x2A, v10;
	v12 =	vor.u32 v14, v12;
	v11 =	vadd.s32 $0x2A, v11  }
0x1d8: {  	v8 =	vadd.s32 v8, v9;
	v14 =	vshrl.u32 v9, $0x3;
	v13 =	vor.u32 v15, v13  }
0x1d9: {  	v9 =	vshll.u32 v9, $0x1D;
	v12 =	vxor.u32 v10, v12;
	v13 =	vxor.u32 v11, v13  }
0x1da: {  	v9 =	vor.u32 v14, v9;
	v10 =	vadd.s32 v10, v12;
	v11 =	vadd.s32 v11, v13  }
0x1db: {  	v14 =	vshrl.u32 v12, $0x3;
	v12 =	vshll.u32 v12, $0x1D;
	v15 =	vshrl.u32 v13, $0x3  }
0x1dc: {  	v9 =	vxor.u32 v8, v9;
	v12 =	vor.u32 v14, v12;
	v13 =	vshll.u32 v13, $0x1D  }
0x1dd: {  	v8 =	vadd.s32 v8, v9;
	v14 =	vshrl.u32 v9, $0x10;
	v13 =	vor.u32 v15, v13  }
0x1de: {  	v9 =	vshll.u32 v9, $0x10;
	v12 =	vxor.u32 v10, v12;
	v13 =	vxor.u32 v11, v13  }
0x1df: {  	v9 =	vor.u32 v14, v9;
	v10 =	vadd.s32 v10, v12;
	v14 =	vadd.s32 v11, v13  }
0x1e0: {  	v11 =	vshrl.u32 v12, $0x10;
	v12 =	vshll.u32 v12, $0x10;
	v15 =	vshrl.u32 v13, $0x10  }
0x1e1: {  	v9 =	vxor.u32 v8, v9;
	v11 =	vor.u32 v11, v12;
	v12 =	vshll.u32 v13, $0x10  }
0x1e2: {  	v13 =	vadd.s32 v8, v9;
	v8 =	vshrl.u32 v9, $0x8;
	v12 =	vor.u32 v15, v12  }
0x1e3: {  	v9 =	vshll.u32 v9, $0x18;
	v15 =	vxor.u32 v10, v11;
	v16 =	vxor.u32 v14, v12  }
.Ltmp0:
0x1e4: {  	v8 =	vor.u32 v8, v9;
	v11 =	vadd.s32 v10, v15;
	v12 =	vadd.s32 v14, v16;
	(pc) =	sbr.rel @p0 .LBB2_2-.Ltmp0, $4  }
0x1e5: {  	v9 =	vshrl.u32 v15, $0x8;
	v10 =	vshll.u32 v15, $0x18;
	v14 =	vshrl.u32 v16, $0x8  }
0x1e6: {  	v8 =	vxor.u32 v13, v8;
	v9 =	vor.u32 v9, v10;
	v10 =	vshll.u32 v16, $0x18  }
0x1e7: {  	v8 =	vadd.s32 $0x2, v8;
	v9 =	vxor.u32 v11, v9;
	v14 =	vor.u32 v14, v10  }
0x1e8: {  	s14 =	sadd.s32 $0x40, s14;
	v10 =	vadd.s32 v8, v13;
	v13 =	vshrl.u32 v8, $0x13;
	v14 =	vxor.u32 v12, v14  }
0x1e9: {  	v8 =	vshll.u32 v8, $0xD  }
0x1ea: {  	v9 =	vadd.s32 $0x2, v9;
	v14 =	vadd.s32 $0x2, v14;
	v10 =	vadd.s32 $0x1BD11BF0, v10  }
0x1eb: {  	v16 =	vshrl.u32 v7, $0x13;
	v17 =	vshll.u32 v7, $0xD;
	v6 =	vadd.s32 $0x2D, v6  }
0x1ec: {  	v3 =	vadd.s32 v3, v4;
	v8 =	vor.u32 v13, v8;
	v11 =	vadd.s32 v9, v11  }
0x1ed: {  	v41 =	vshrl.u32 v9, $0x13;
	v9 =	vshll.u32 v9, $0xD;
	v12 =	vadd.s32 v14, v12  }
0x1ee: {  	v15 =	vshrl.u32 v14, $0x13;
	v14 =	vshll.u32 v14, $0xD;
	v28 =	vor.u32 v16, v17  }
0x1ef: {  	v5 =	vadd.s32 v5, v6;
	v8 =	vxor.u32 v10, v8;
	v11 =	vadd.s32 $0x1BD11BF0, v11  }
0x1f0: {  	v9 =	vor.u32 v41, v9;
	v12 =	vadd.s32 $0x1BD11BF0, v12;
	v14 =	vor.u32 v15, v14  }
0x1f1: {  	v15 =	vxor.u32 v7, v28;
	v10 =	vadd.s32 v10, v8;
	v42 =	vshrl.u32 v8, $0x11  }
0x1f2: {  	v8 =	vshll.u32 v8, $0xF;
	v9 =	vxor.u32 v11, v9;
	v14 =	vxor.u32 v12, v14  }
0x1f3: {  	v29 =	vshrl.u32 v15, $0x11;
	v30 =	vshll.u32 v15, $0xF;
	v7 =	vadd.s32 v7, v15  }
0x1f4: {  	v8 =	vor.u32 v42, v8;
	v11 =	vadd.s32 v11, v9;
	v12 =	vadd.s32 v12, v14  }
0x1f5: {  	v43 =	vshrl.u32 v9, $0x11;
	v9 =	vshll.u32 v9, $0xF;
	v44 =	vshrl.u32 v14, $0x11  }
0x1f6: {  	v45 =	vshll.u32 v14, $0xF;
	v14 =	vor.u32 v29, v30;
	v8 =	vxor.u32 v10, v8  }
0x1f7: {  	v9 =	vor.u32 v43, v9;
	v13 =	vor.u32 v44, v45;
	v14 =	vxor.u32 v7, v14  }
0x1f8: {  	v10 =	vadd.s32 v10, v8;
	v46 =	vshrl.u32 v8, $0x6;
	v8 =	vshll.u32 v8, $0x1A  }
0x1f9: {  	v9 =	vxor.u32 v11, v9;
	v13 =	vxor.u32 v12, v13;
	v33 =	vshrl.u32 v14, $0x6  }
0x1fa: {  	v7 =	vadd.s32 v7, v14;
	v8 =	vor.u32 v46, v8;
	v11 =	vadd.s32 v11, v9  }
0x1fb: {  	v12 =	vadd.s32 v12, v13;
	v47 =	vshrl.u32 v9, $0x6;
	v9 =	vshll.u32 v9, $0x1A  }
0x1fc: {  	v48 =	vshrl.u32 v13, $0x6;
	v13 =	vshll.u32 v13, $0x1A;
	v8 =	vxor.u32 v10, v8  }
0x1fd: {  	v9 =	vor.u32 v47, v9;
	v13 =	vor.u32 v48, v13;
	v10 =	vadd.s32 v10, v8  }
0x1fe: {  	v49 =	vshrl.u32 v8, $0x1A;
	v8 =	vshll.u32 v8, $0x6;
	v9 =	vxor.u32 v11, v9  }
0x1ff: {  	v13 =	vxor.u32 v12, v13;
	v8 =	vor.u32 v49, v8;
	v11 =	vadd.s32 v11, v9  }
0x200: {  	v12 =	vadd.s32 v12, v13;
	v50 =	vshrl.u32 v9, $0x1A;
	v9 =	vshll.u32 v9, $0x6  }
0x201: {  	v51 =	vshrl.u32 v13, $0x1A;
	v13 =	vshll.u32 v13, $0x6;
	v8 =	vxor.u32 v10, v8  }
0x202: {  	v9 =	vor.u32 v50, v9;
	v13 =	vor.u32 v51, v13;
	v8 =	vadd.s32 $0x2D, v8  }
0x203: {  	v9 =	vxor.u32 v11, v9;
	v13 =	vxor.u32 v12, v13;
	v10 =	vadd.s32 v10, v8  }
0x204: {  	v52 =	vshrl.u32 v8, $0xF;
	v8 =	vshll.u32 v8, $0x11;
	v9 =	vadd.s32 $0x2D, v9  }
0x205: {  	v13 =	vadd.s32 $0x2D, v13;
	v8 =	vor.u32 v52, v8;
	v11 =	vadd.s32 v11, v9  }
0x206: {  	v12 =	vadd.s32 v12, v13;
	v53 =	vshrl.u32 v9, $0xF;
	v9 =	vshll.u32 v9, $0x11  }
0x207: {  	v54 =	vshrl.u32 v13, $0xF;
	v13 =	vshll.u32 v13, $0x11;
	v8 =	vxor.u32 v10, v8  }
0x208: {  	v9 =	vor.u32 v53, v9;
	v13 =	vor.u32 v54, v13;
	v10 =	vadd.s32 v10, v8  }
0x209: {  	v55 =	vshrl.u32 v8, $0x3;
	v8 =	vshll.u32 v8, $0x1D;
	v9 =	vxor.u32 v11, v9  }
0x20a: {  	v13 =	vxor.u32 v12, v13;
	v8 =	vor.u32 v55, v8;
	v11 =	vadd.s32 v11, v9  }
0x20b: {  	v12 =	vadd.s32 v12, v13;
	v56 =	vshrl.u32 v9, $0x3;
	v9 =	vshll.u32 v9, $0x1D  }
0x20c: {  	v57 =	vshrl.u32 v13, $0x3;
	v13 =	vshll.u32 v13, $0x1D;
	v55 =	vshrl.u32 v6, $0xF  }
0x20d: {  	v8 =	vxor.u32 v10, v8;
	v9 =	vor.u32 v56, v9;
	v13 =	vor.u32 v57, v13  }
0x20e: {  	v56 =	vshll.u32 v6, $0x11;
	v10 =	vadd.s32 v10, v8;
	v58 =	vshrl.u32 v8, $0x10  }
0x20f: {  	v8 =	vshll.u32 v8, $0x10;
	v9 =	vxor.u32 v11, v9;
	v13 =	vxor.u32 v12, v13  }
0x210: {  	v8 =	vor.u32 v58, v8;
	v11 =	vadd.s32 v11, v9;
	v12 =	vadd.s32 v12, v13  }
0x211: {  	v59 =	vshrl.u32 v9, $0x10;
	v9 =	vshll.u32 v9, $0x10;
	v60 =	vshrl.u32 v13, $0x10  }
0x212: {  	v13 =	vshll.u32 v13, $0x10;
	v8 =	vxor.u32 v10, v8;
	v9 =	vor.u32 v59, v9  }
0x213: {  	v13 =	vor.u32 v60, v13;
	v10 =	vadd.s32 v10, v8;
	v61 =	vshrl.u32 v8, $0x8  }
0x214: {  	v8 =	vshll.u32 v8, $0x18;
	v9 =	vxor.u32 v11, v9;
	v13 =	vxor.u32 v12, v13  }
0x215: {  	v8 =	vor.u32 v61, v8;
	v11 =	vadd.s32 v11, v9;
	v12 =	vadd.s32 v12, v13  }
0x216: {  	v62 =	vshrl.u32 v9, $0x8;
	v9 =	vshll.u32 v9, $0x18;
	v63 =	vshrl.u32 v13, $0x8  }
0x217: {  	v13 =	vshll.u32 v13, $0x18;
	v8 =	vxor.u32 v10, v8;
	v9 =	vor.u32 v62, v9  }
0x218: {  	v13 =	vor.u32 v63, v13;
	v8 =	vadd.s32 $0x1BD11BF4, v8;
	v9 =	vxor.u32 v11, v9  }
0x219: {  	v13 =	vxor.u32 v12, v13;
	v10 =	vadd.s32 v8, v10;
	v18 =	vshrl.u32 v8, $0x13  }
0x21a: {  	v8 =	vshll.u32 v8, $0xD;
	v9 =	vadd.s32 $0x1BD11BF4, v9;
	v13 =	vadd.s32 $0x1BD11BF4, v13  }
0x21b: {  	v10 =	vadd.s32 $0x2A, v10;
	v8 =	vor.u32 v18, v8;
	v11 =	vadd.s32 v9, v11  }
0x21c: {  	v19 =	vshrl.u32 v9, $0x13;
	v9 =	vshll.u32 v9, $0xD;
	v12 =	vadd.s32 v13, v12  }
0x21d: {  	v20 =	vshrl.u32 v13, $0x13;
	v13 =	vshll.u32 v13, $0xD;
	v18 =	vshll.u32 v14, $0x1A  }
0x21e: {  	v8 =	vxor.u32 v10, v8;
	v11 =	vadd.s32 $0x2A, v11;
	v9 =	vor.u32 v19, v9  }
0x21f: {  	v12 =	vadd.s32 $0x2A, v12;
	v13 =	vor.u32 v20, v13;
	v34 =	vor.u32 v33, v18  }
0x220: {  	v10 =	vadd.s32 v10, v8;
	v21 =	vshrl.u32 v8, $0x11;
	v8 =	vshll.u32 v8, $0xF  }
0x221: {  	v9 =	vxor.u32 v11, v9;
	v13 =	vxor.u32 v12, v13;
	v36 =	vxor.u32 v7, v34  }
0x222: {  	v8 =	vor.u32 v21, v8;
	v11 =	vadd.s32 v11, v9;
	v12 =	vadd.s32 v12, v13  }
0x223: {  	v22 =	vshrl.u32 v9, $0x11;
	v9 =	vshll.u32 v9, $0xF;
	v23 =	vshrl.u32 v13, $0x11  }
0x224: {  	v13 =	vshll.u32 v13, $0xF;
	v7 =	vadd.s32 v7, v36;
	v14 =	vshrl.u32 v36, $0x1A  }
0x225: {  	v8 =	vxor.u32 v10, v8;
	v9 =	vor.u32 v22, v9;
	v13 =	vor.u32 v23, v13  }
0x226: {  	v10 =	vadd.s32 v10, v8;
	v24 =	vshrl.u32 v8, $0x6;
	v8 =	vshll.u32 v8, $0x1A  }
0x227: {  	v9 =	vxor.u32 v11, v9;
	v13 =	vxor.u32 v12, v13;
	v8 =	vor.u32 v24, v8  }
0x228: {  	v11 =	vadd.s32 v11, v9;
	v12 =	vadd.s32 v12, v13;
	v25 =	vshrl.u32 v9, $0x6  }
0x229: {  	v9 =	vshll.u32 v9, $0x1A;
	v26 =	vshrl.u32 v13, $0x6;
	v13 =	vshll.u32 v13, $0x1A  }
0x22a: {  	v8 =	vxor.u32 v10, v8;
	v9 =	vor.u32 v25, v9;
	v13 =	vor.u32 v26, v13  }
0x22b: {  	v10 =	vadd.s32 v10, v8;
	v27 =	vshrl.u32 v8, $0x1A;
	v8 =	vshll.u32 v8, $0x6  }
0x22c: {  	v9 =	vxor.u32 v11, v9;
	v13 =	vxor.u32 v12, v13;
	v8 =	vor.u32 v27, v8  }
0x22d: {  	v31 =	vadd.s32 $0x1BD11BF0, v10;
	v8 =	vxor.u32 v10, v8;
	v10 =	vshll.u32 v36, $0x6  }
0x22e: {  	v11 =	vadd.s32 v11, v9;
	v32 =	vshrl.u32 v9, $0x1A;
	v10 =	vor.u32 v14, v10  }
0x22f: {  	v9 =	vshll.u32 v9, $0x6;
	v12 =	vadd.s32 v12, v13;
	v10 =	vxor.u32 v7, v10  }
0x230: {  	v37 =	vshrl.u32 v13, $0x1A;
	v13 =	vshll.u32 v13, $0x6;
	v10 =	vadd.s32 $0x1BD11BF1, v10  }
0x231: {  	v7 =	vadd.s32 v10, v7;
	v39 =	vshrl.u32 v10, $0xF;
	v10 =	vshll.u32 v10, $0x11  }
0x232: {  	v35 =	vadd.s32 $0x1BD11BF0, v11;
	v7 =	vadd.s32 $0x2A, v7;
	v10 =	vor.u32 v39, v10  }
0x233: {  	v9 =	vor.u32 v32, v9;
	v38 =	vadd.s32 $0x1BD11BF0, v12;
	v10 =	vxor.u32 v7, v10  }
0x234: {  	v13 =	vor.u32 v37, v13;
	v42 =	vshrl.u32 v10, $0x3;
	v43 =	vshll.u32 v10, $0x1D  }
0x235: {  	v8 =	vadd.s32 $0x5, v8;
	v44 =	vadd.s32 v7, v10;
	v45 =	vor.u32 v42, v43  }
0x236: {  	v9 =	vxor.u32 v11, v9;
	v12 =	vxor.u32 v12, v13;
	v47 =	vxor.u32 v44, v45  }
0x237: {  	v9 =	vadd.s32 $0x5, v9;
	v49 =	vshrl.u32 v47, $0x10;
	v50 =	vshll.u32 v47, $0x10  }
0x238: {  	s12 =	sadd.s32 $0x40, s12;
	v9 =	vxor.u32 v35, v9;
	v51 =	vadd.s32 v44, v47;
	v52 =	vor.u32 v49, v50  }
0x239: {  	v40 =	vld [tilespmem:s12+$0xFFFFFFE0];
	v46 =	vadd.s32 $0x5, v12;
	vm11 =	vlt.u32 v9, $0x19999A00;
	v53 =	vxor.u32 v51, v52  }
0x23a: {  	v41 =	vld [tilespmem:s12+$0x0];
	v10 =	vxor.u32 v38, v46;
	v54 =	vshrl.u32 v53, $0x8;
	v12 =	vshll.u32 v53, $0x18  }
0x23b: {  	v48 =	vld [tilespmem:s12+$0x10];
	vm12 =	vlt.u32 v10, $0x19999A00;
	v9 =	vadd.s32 v51, v53;
	v10 =	vor.u32 v54, v12  }
0x23c: {  	v59 =	vshrl.u32 v4, $0x1A;
	v8 =	vxor.u32 v31, v8;
	v10 =	vxor.u32 v9, v10  }
0x23d: {  	v23 =	vshll.u32 v4, $0x6;
	vm0 =	vlt.u32 v8, $0x19999A00;
	v57 =	vadd.s32 $0x2, v10  }
0x23e: {  	v9 =	vadd.s32 v57, v9;
	v10 =	vshrl.u32 v57, $0x13;
	v6 =	vshll.u32 v57, $0xD  }
0x23f: {  	v8 =	vsel vm11, $0x16, v41;
	v9 =	vadd.s32 $0x1BD11BF0, v9;
	v6 =	vor.u32 v10, v6  }
0x240: {  	v7 =	vsel vm0, $0x16, v40;
	v11 =	vsel vm12, $0x16, v48;
	v6 =	vxor.u32 v9, v6  }
0x241: {  	v12 =	vor.u32 v55, v56;
	v61 =	vshrl.u32 v6, $0x11;
	v62 =	vshll.u32 v6, $0xF  }
0x242: {  	v58 =	vxor.u32 v5, v12;
	v6 =	vadd.s32 v9, v6;
	v19 =	vor.u32 v61, v62  }
0x243: {  	v12 =	vor.u32 v59, v23;
	v60 =	vshrl.u32 v58, $0x3;
	v9 =	vxor.u32 v6, v19  }
0x244: {  	v63 =	vshll.u32 v58, $0x1D;
	v21 =	vshrl.u32 v9, $0x6;
	v22 =	vshll.u32 v9, $0x1A  }
0x245: {  	v5 =	vadd.s32 v5, v58;
	v6 =	vadd.s32 v6, v9;
	v24 =	vor.u32 v21, v22  }
0x246: {  	v35 =	vxor.u32 v3, v12;
	v3 =	vadd.s32 $0x1BD11BF0, v3;
	v9 =	vxor.u32 v6, v24  }
0x247: {  	v20 =	vor.u32 v60, v63;
	v27 =	vshrl.u32 v9, $0x1A;
	v28 =	vshll.u32 v9, $0x6  }
0x248: {  	v10 =	vxor.u32 v5, v20;
	v6 =	vadd.s32 v6, v9;
	v29 =	vor.u32 v27, v28  }
0x249: {  	v25 =	vshrl.u32 v10, $0x10;
	v26 =	vshll.u32 v10, $0x10;
	v9 =	vxor.u32 v6, v29  }
0x24a: {  	v5 =	vadd.s32 v5, v10;
	v13 =	vor.u32 v25, v26;
	v9 =	vadd.s32 $0x2D, v9  }
0x24b: {  	v30 =	vxor.u32 v5, v13;
	v31 =	vshrl.u32 v9, $0xF;
	v32 =	vshll.u32 v9, $0x11  }
0x24c: {  	v13 =	vshrl.u32 v30, $0x8;
	v6 =	vadd.s32 v6, v9;
	v33 =	vor.u32 v31, v32  }
0x24d: {  	v5 =	vadd.s32 v5, v30;
	v10 =	vshll.u32 v30, $0x18;
	v9 =	vxor.u32 v6, v33  }
0x24e: {  	v10 =	vor.u32 v13, v10;
	v36 =	vshrl.u32 v9, $0x3;
	v37 =	vshll.u32 v9, $0x1D  }
0x24f: {  	v34 =	vxor.u32 v5, v10;
	v6 =	vadd.s32 v6, v9;
	v38 =	vor.u32 v36, v37  }
0x250: {  	v10 =	vadd.s32 $0x5, v35;
	v4 =	vadd.s32 $0x1BD11BF4, v34;
	v9 =	vxor.u32 v6, v38  }
0x251: {  	v5 =	vadd.s32 v4, v5;
	v40 =	vshrl.u32 v9, $0x10;
	v41 =	vshll.u32 v9, $0x10  }
0x252: {  	v39 =	vshrl.u32 v4, $0x13;
	v6 =	vadd.s32 v6, v9;
	v42 =	vor.u32 v40, v41  }
0x253: {  	v4 =	vshll.u32 v4, $0xD;
	v5 =	vadd.s32 $0x2A, v5;
	v9 =	vxor.u32 v6, v42  }
0x254: {  	v4 =	vor.u32 v39, v4;
	v43 =	vshrl.u32 v9, $0x8;
	v44 =	vshll.u32 v9, $0x18  }
0x255: {  	v4 =	vxor.u32 v5, v4;
	v6 =	vadd.s32 v6, v9;
	v45 =	vor.u32 v43, v44  }
0x256: {  	v46 =	vshrl.u32 v4, $0x11;
	v47 =	vshll.u32 v4, $0xF;
	v9 =	vxor.u32 v6, v45  }
0x257: {  	v4 =	vadd.s32 v5, v4;
	v48 =	vor.u32 v46, v47;
	v9 =	vadd.s32 $0x1BD11BF4, v9  }
0x258: {  	v6 =	vadd.s32 v9, v6;
	v49 =	vshrl.u32 v9, $0x13;
	v9 =	vshll.u32 v9, $0xD  }
0x259: {  	v5 =	vxor.u32 v4, v48;
	v6 =	vadd.s32 $0x2A, v6;
	v9 =	vor.u32 v49, v9  }
0x25a: {  	v3 =	vxor.u32 v3, v10;
	v50 =	vshrl.u32 v5, $0x6;
	v9 =	vxor.u32 v6, v9  }
0x25b: {  	v51 =	vshll.u32 v5, $0x1A;
	v52 =	vshrl.u32 v9, $0x11;
	v53 =	vshll.u32 v9, $0xF  }
0x25c: {  	v4 =	vadd.s32 v4, v5;
	v6 =	vadd.s32 v6, v9;
	v5 =	vor.u32 v52, v53  }
0x25d: {  	vm13 =	vlt.u32 v3, $0x19999A00;
	v12 =	vor.u32 v50, v51;
	v5 =	vxor.u32 v6, v5  }
0x25e: {  	v54 =	vxor.u32 v4, v12;
	v56 =	vshrl.u32 v5, $0x6;
	v57 =	vshll.u32 v5, $0x1A  }
0x25f: {  	v55 =	vshrl.u32 v54, $0x1A;
	v5 =	vadd.s32 v6, v5;
	v59 =	vor.u32 v56, v57  }
0x260: {  	v58 =	vshll.u32 v54, $0x6;
	v4 =	vadd.s32 v4, v54;
	v6 =	vxor.u32 v5, v59  }
0x261: {  	v3 =	vor.u32 v55, v58;
	v60 =	vshrl.u32 v6, $0x1A;
	v61 =	vshll.u32 v6, $0x6  }
0x262: {  	v62 =	vld [tilespmem:s12+$0xFFFFFFF0];
	v3 =	vxor.u32 v4, v3;
	v5 =	vadd.s32 v5, v6;
	v9 =	vor.u32 v60, v61  }
0x263: {  	[tilespmem:s12+$0x0] =	vst v8;
	v4 =	vadd.s32 $0x1BD11BF0, v4;
	v3 =	vadd.s32 $0x5, v3;
	v6 =	vxor.u32 v5, v9  }
0x264: {  	[tilespmem:s12+$0xFFFFFFE0] =	vst v7;
	v3 =	vxor.u32 v4, v3;
	v5 =	vadd.s32 $0x1BD11BF0, v5;
	v63 =	vadd.s32 $0x5, v6  }
0x265: {  	[tilespmem:s12+$0x10] =	vst v11;
	v1 =	vsel vm13, $0x16, v1;
	vm14 =	vlt.u32 v3, $0x19999A00;
	v3 =	vxor.u32 v5, v63  }
0x266: {  	s10 =	sadd.s32 $0x1, s10;
	[tilespmem:s11+$0xFFFFFFF0] =	vst v1;
	v1 =	vsel vm14, $0x16, v2;
	vm15 =	vlt.u32 v3, $0x19999A00  }
0x267: {  	p0 =	sne.s32 s10, s5;
	[tilespmem:s13+$0xFFFFFFF0] =	vst v1;
	v1 =	vsel vm15, $0x16, v62  }
.Ltmp1:
0x268: {  	[tilespmem:s12+$0xFFFFFFF0] =	vst v1;
	(pc) =	sbr.rel @p0 .LBB2_1-.Ltmp1, $4  }
0x269: {  	[hbm4b:s4+s7] =	stream.strided.scatter [tilespmem:s2], [sflag:$0x1], $0x400, s8, s7, $0x38;
	[tilespmem:$0x400] =	vst v63  }
0x26a: {  	_ =	swait.ge [sflag:s9], $0x400  }
0x26b: {  	[sflag:s9] =	ssyncset.done $0x0  }
0x26c: {  	[sflag:s9] =	ssyncadd.s32 $0xFFFFFC00  }
0x26d: {  	_ =	sfence.sel $0x180000  }
0x26e: {  	[bflag:$0x0] =	sbarrier.arrive $0xFFFF  }
0x26f: {  	p0 =	sne.s32 s1, $0x0;
	_ =	strace $0x90000047  }
0x270: {  	s0 =	sadd.s32 @!p0 $0x100000, s0;
	[bflag:$0x2] =	sbarrier.arrive $0xFFFF  }
0x271: {  	[sflag:s0] =	ssyncadd.tile.s32 @!p0 $0x1;
	_ =	shalt  }
.Lfunc_end2:
_tile_overlayer_lowered:
.L_overlay_start_2:
0x272: {  	(tag) =	ssettag $0x2  }
0x273: {  	s0 =	rddreg [dreg:$0x0];
	s2 =	stileid.u32  }
0x274: {  	s1 =	rddreg [dreg:$0x1];
	p0 =	sne.s32 s2, $0x0  }
0x275: {  	s3 =	rddreg [dreg:$0x2];
	[bflag:$0x3] =	sbarrier.arrive $0xFFFF;
	s2 =	simm.s32 @!p0 $0x1C01  }
0x276: {  	[timem:s3], [sflag:s2] =	dma.local @!p0 [hbm:s0], s1  }
0x277: {  	s0 =	simm.s32 @!p0 $0x1  }
0x278: {  	_ =	swait.ge @!p0 [sflag:s0], s1  }
0x279: {  	s1 =	ssub.s32 @!p0 $0x0, s1;
	[sflag:s0] =	ssyncset.done @!p0 $0x0  }
0x27a: {  	[sflag:s0] =	ssyncadd.s32 @!p0 s1  }
0x27b: {  	[bflag:$0x3] =	sbarrier.arrive $0xFFFF  }
0x27c: {  	_ =	shalt  }

</sc_bundles>
